<compile_context>
chip_gen: v7x
topology: tpu7x:2x2x1
jax: 0.10.2.dev20260603
libtpu: 0.0.44.dev20260713+nightly
codegen_flags: <defaults>
</compile_context>

<pallas_src>
import functools

import jax
import jax.numpy as jnp
from jax import lax
from jax.experimental import pallas as pl
from jax.experimental.pallas import tpu as pltpu
from jax.experimental.pallas import tpu_sc as plsc

BATCH = 16384
D = 2080

NC = 2
NS = 16
L = 16
NW = NC * NS

UCOLS = 104
NU = D // UCOLS
IT = 128
IG = IT // L
NSRC_U = 16
ZERO_SLOT = NSRC_U
ONE_SLOT = NSRC_U + 1
NSLOT = NSRC_U + 2
ITILES = BATCH // IT
IT_PER_W = ITILES // NW
N_CHUNKS = IT_PER_W * NU
N_PAIRS = N_CHUNKS // 2
NG = D // L


def _build_tables(dlbuf, dsbuf, rkbuf, slbuf, srbuf, iota):
    def rank_body(g, run):
        colv = iota + g * L
        issrc = (dsbuf[pl.ds(g * L, L)] == colv).astype(jnp.int32)
        rkv = jnp.cumsum(issrc) + run
        rkbuf[pl.ds(g * L, L)] = rkv
        return rkv[L - 1]

    lax.fori_loop(0, NG, rank_body, jnp.int32(0))

    def slot_body(g, carry):
        colv = iota + g * L
        dlv = dlbuf[pl.ds(g * L, L)]
        dsv = dsbuf[pl.ds(g * L, L)]
        ds_c = jnp.maximum(dsv, 0)
        rks = plsc.load_gather(rkbuf, [ds_c])
        src_slot = lax.bitwise_and(rks - 1, jnp.int32(NSRC_U - 1))
        slotv = jnp.where(
            dlv >= 0,
            jnp.int32(ZERO_SLOT),
            jnp.where(dsv < 0, jnp.int32(ONE_SLOT), src_slot),
        )
        slbuf[pl.ds(g * L, L)] = slotv
        issrc = dsv == colv
        rkv = rkbuf[pl.ds(g * L, L)]
        rel = lax.rem(colv, jnp.int32(UCOLS))
        plsc.store_scatter(srbuf, [jnp.maximum(rkv - 1, 0)], rel, mask=issrc)
        return carry

    lax.fori_loop(0, NG, slot_body, 0)


def _compute_chunk(xbuf, obuf, rbuf, slbuf, srbuf, u, iotas):
    @plsc.parallel_loop(0, UCOLS, unroll=2)
    def _(j):
        for g in range(IG):
            xv = xbuf[j, pl.ds(g * L, L)]
            obuf[j, pl.ds(g * L, L)] = xv


def _body(x_hbm, dl_hbm, ds_hbm, out_hbm, xb0, xb1, ob0, ob1, rbuf, dlbuf,
          dsbuf, rkbuf, slbuf, srbuf, isem0, isem1, osem0, osem1):
    cid = lax.axis_index("c")
    sid = lax.axis_index("s")
    wid = sid * NC + cid
    it0 = wid * IT_PER_W

    pltpu.sync_copy(dl_hbm, dlbuf)
    pltpu.sync_copy(ds_hbm, dsbuf)
    iota = lax.iota(jnp.int32, L)
    iotas = [iota + (g * L) for g in range(IG)]

    _build_tables(dlbuf, dsbuf, rkbuf, slbuf, srbuf, iota)

    for g in range(IG):
        rbuf[pl.ds(ZERO_SLOT * IT + g * L, L)] = jnp.zeros((L,), jnp.float32)
        rbuf[pl.ds(ONE_SLOT * IT + g * L, L)] = jnp.ones((L,), jnp.float32)

    def unit_of(ci):
        return ci % NU

    def xslab(ci):
        u = ci % NU
        it = it0 + ci // NU
        return x_hbm.at[pl.ds(u * UCOLS, UCOLS), pl.ds(it * IT, IT)]

    def oslab(ci):
        u = ci % NU
        it = it0 + ci // NU
        return out_hbm.at[pl.ds(u * UCOLS, UCOLS), pl.ds(it * IT, IT)]

    pltpu.async_copy(xslab(0), xb0, isem0)
    pltpu.async_copy(xslab(1), xb1, isem1)

    def pair_body(p, carry):
        c0 = 2 * p
        pltpu.make_async_copy(xslab(c0), xb0, isem0).wait()

        @pl.when(p > 0)
        def _():
            pltpu.make_async_copy(ob0, oslab(c0 - 2), osem0).wait()

        _compute_chunk(xb0, ob0, rbuf, slbuf, srbuf, unit_of(c0), iotas)
        pltpu.async_copy(ob0, oslab(c0), osem0)

        @pl.when(p < N_PAIRS - 1)
        def _():
            pltpu.async_copy(xslab(c0 + 2), xb0, isem0)

        pltpu.make_async_copy(xslab(c0 + 1), xb1, isem1).wait()

        @pl.when(p > 0)
        def _():
            pltpu.make_async_copy(ob1, oslab(c0 - 1), osem1).wait()

        _compute_chunk(xb1, ob1, rbuf, slbuf, srbuf, unit_of(c0 + 1), iotas)
        pltpu.async_copy(ob1, oslab(c0 + 1), osem1)

        @pl.when(p < N_PAIRS - 1)
        def _():
            pltpu.async_copy(xslab(c0 + 3), xb1, isem1)

        return carry

    lax.fori_loop(0, N_PAIRS, pair_body, 0)
    pltpu.make_async_copy(ob0, oslab(N_CHUNKS - 2), osem0).wait()
    pltpu.make_async_copy(ob1, oslab(N_CHUNKS - 1), osem1).wait()


_sc_norm = functools.partial(
    pl.kernel,
    out_type=jax.ShapeDtypeStruct((D, BATCH), jnp.float32),
    mesh=plsc.VectorSubcoreMesh(core_axis_name="c", subcore_axis_name="s"),
    compiler_params=pltpu.CompilerParams(
        use_tc_tiling_on_sc=True, needs_layout_passes=False
    ),
    scratch_types=[
        pltpu.VMEM((UCOLS, IT), jnp.float32),
        pltpu.VMEM((UCOLS, IT), jnp.float32),
        pltpu.VMEM((UCOLS, IT), jnp.float32),
        pltpu.VMEM((UCOLS, IT), jnp.float32),
        pltpu.VMEM((NSLOT * IT,), jnp.float32),
        pltpu.VMEM((D,), jnp.int32),
        pltpu.VMEM((D,), jnp.int32),
        pltpu.VMEM((D,), jnp.int32),
        pltpu.VMEM((D,), jnp.int32),
        pltpu.VMEM((NU * NSRC_U,), jnp.int32),
        pltpu.SemaphoreType.DMA,
        pltpu.SemaphoreType.DMA,
        pltpu.SemaphoreType.DMA,
        pltpu.SemaphoreType.DMA,
    ],
)(_body)


@jax.jit
def kernel(x, dims_loc, dims_scale):
    dl = dims_loc[0].astype(jnp.int32)
    dsc = dims_scale[0].astype(jnp.int32)
    out_t = _sc_norm(x.T, dl, dsc)
    return out_t.T

# --- scband reference (transcript-rebuilt; emitter-appended) ---
"""Pipeline reference for scband-translation-normalizer-28819230556759 (READ-ONLY COPY).

The authoritative reference and input builder live on the scoring server;
editing this copy changes nothing except your own understanding.
"""

import jax, jax.numpy as jnp
import numpy as np

D_GROUP = 3
N_BLOCKS = 160
BATCH = 16384


def _build_dims(d=D_GROUP, n_blocks=N_BLOCKS):
    # Faithful re-implementation of get_extend_dims for a SumRep consisting of
    # n_blocks repetitions of (scalar, vector(d), matrix(d*d)).
    dims_loc = []
    dims_scale = []
    begin = 0
    for _ in range(n_blocks):
        # scalar (size 1)
        dims_scale.append(-1)
        dims_loc.append(-1)
        begin += 1
        # vector (size d)
        size = d
        end = begin + size
        dims_scale.extend([end - 1] * size)
        dims_loc.extend([-1] * size)
        begin = end
        # matrix (size d*d)
        size = d * d
        end = begin + size
        dims_scale.extend([end - 1] * size)
        loc = (np.arange(size) + begin).reshape(d, d)
        loc[:d - 1, :d - 1] = -1
        loc = loc.reshape(-1).copy()
        loc[-1] = -1  # corner element masked out (matches original: loc[-1,-1] = -1 before extend)
        dims_loc.extend(loc.tolist())
        begin = end
    return np.asarray(dims_loc, dtype=np.int64), np.asarray(dims_scale, dtype=np.int64)


def setup_inputs(seed: int = 0) -> dict:
    key = jax.random.key(seed)
    dims_loc_np, dims_scale_np = _build_dims()
    D = dims_loc_np.shape[0]  # 2080
    x = jax.random.normal(key, (BATCH, D), dtype=jnp.float32)
    dims_loc = jnp.expand_dims(jnp.asarray(dims_loc_np), 0)
    dims_scale = jnp.expand_dims(jnp.asarray(dims_scale_np), 0)
    return {"x": x, "dims_loc": dims_loc, "dims_scale": dims_scale}


def reference(x, dims_loc, dims_scale):
    loc = jnp.zeros_like(x)
    scale = jnp.ones_like(x)
    loc = jnp.where(dims_loc == -1, loc, x[:, dims_loc[0]])
    scale = jnp.where(dims_scale == -1, scale, x[:, dims_scale[0]])
    return (x - loc) / scale

if __name__ == "__main__":
    import jax
    _d = setup_inputs()
    print(jax.jit(kernel)(*tuple(_d.values())))

</pallas_src>

<mosaic_0001>
#map = affine_map<(d0, d1) -> (0, 0)>
#map1 = affine_map<(d0, d1) -> (0)>
module attributes {stable_mosaic.version = 14 : i64} {
  func.func @_body(%arg0: i32, %arg1: i32, %arg2: memref<2080x16384xf32, #tpu.memory_space<hbm>>, %arg3: memref<2080xi32, #tpu.memory_space<hbm>>, %arg4: memref<2080xi32, #tpu.memory_space<hbm>>, %arg5: memref<2080x16384xf32, #tpu.memory_space<hbm>>, %arg6: memref<104x128xf32, #tpu.memory_space<vmem>>, %arg7: memref<104x128xf32, #tpu.memory_space<vmem>>, %arg8: memref<104x128xf32, #tpu.memory_space<vmem>>, %arg9: memref<104x128xf32, #tpu.memory_space<vmem>>, %arg10: memref<2304xf32, #tpu.memory_space<vmem>>, %arg11: memref<2080xi32, #tpu.memory_space<vmem>>, %arg12: memref<2080xi32, #tpu.memory_space<vmem>>, %arg13: memref<2080xi32, #tpu.memory_space<vmem>>, %arg14: memref<2080xi32, #tpu.memory_space<vmem>>, %arg15: memref<320xi32, #tpu.memory_space<vmem>>, %arg16: memref<!tpu.dma_semaphore, #tpu.memory_space<semaphore_mem>>, %arg17: memref<!tpu.dma_semaphore, #tpu.memory_space<semaphore_mem>>, %arg18: memref<!tpu.dma_semaphore, #tpu.memory_space<semaphore_mem>>, %arg19: memref<!tpu.dma_semaphore, #tpu.memory_space<semaphore_mem>>) attributes {dimension_semantics = [#tpu.dimension_semantics<core_parallel>, #tpu.dimension_semantics<subcore_parallel>], iteration_bounds = array<i64: 2, 16>, scalar_prefetch = 0 : i64, scratch_operands = 14 : i64, tpu.core_type = #tpu.core_type<sc_vector_subcore>, window_params = [{transform_indices = #map}, {transform_indices = #map1}, {transform_indices = #map1}, {transform_indices = #map}]} {
    %mul3A = arith.constant 2 : i32
    %mul3A_0 = arith.muli %arg1, %mul3A : i32
    %add3A = arith.addi %mul3A_0, %arg0 : i32
    %mul3A_1 = arith.constant 4 : i32
    %mul3A_2 = arith.muli %add3A, %mul3A_1 : i32
    "tpu.region"() ({
      %run_scoped3A = tpu.sem_alloc : memref<!tpu.dma_semaphore, #tpu.memory_space<semaphore_mem>>
      tpu.enqueue_dma source(%arg3 : memref<2080xi32, #tpu.memory_space<hbm>>) target(%arg11 : memref<2080xi32, #tpu.memory_space<vmem>>) target_semaphore(%run_scoped3A : memref<!tpu.dma_semaphore, #tpu.memory_space<semaphore_mem>>)
      tpu.wait_dma2 semaphore(%run_scoped3A : memref<!tpu.dma_semaphore, #tpu.memory_space<semaphore_mem>>) src(%arg3 : memref<2080xi32, #tpu.memory_space<hbm>>) dst(%arg11 : memref<2080xi32, #tpu.memory_space<vmem>>)
      tpu.yield
    }) : () -> ()
    "tpu.region"() ({
      %run_scoped3A = tpu.sem_alloc : memref<!tpu.dma_semaphore, #tpu.memory_space<semaphore_mem>>
      tpu.enqueue_dma source(%arg4 : memref<2080xi32, #tpu.memory_space<hbm>>) target(%arg12 : memref<2080xi32, #tpu.memory_space<vmem>>) target_semaphore(%run_scoped3A : memref<!tpu.dma_semaphore, #tpu.memory_space<semaphore_mem>>)
      tpu.wait_dma2 semaphore(%run_scoped3A : memref<!tpu.dma_semaphore, #tpu.memory_space<semaphore_mem>>) src(%arg4 : memref<2080xi32, #tpu.memory_space<hbm>>) dst(%arg12 : memref<2080xi32, #tpu.memory_space<vmem>>)
      tpu.yield
    }) : () -> ()
    %iota3A = tpu.iota {dimensions = array<i32: 0>} : vector<16xi32>
    %add3A_3 = arith.constant 0 : i32
    %add3A_4 = vector.broadcast %add3A_3 : i32 to vector<16xi32>
    %add3A_5 = arith.addi %iota3A, %add3A_4 : vector<16xi32>
    %add3A_6 = arith.constant 16 : i32
    %add3A_7 = vector.broadcast %add3A_6 : i32 to vector<16xi32>
    %add3A_8 = arith.addi %iota3A, %add3A_7 : vector<16xi32>
    %add3A_9 = arith.constant 32 : i32
    %add3A_10 = vector.broadcast %add3A_9 : i32 to vector<16xi32>
    %add3A_11 = arith.addi %iota3A, %add3A_10 : vector<16xi32>
    %add3A_12 = arith.constant 48 : i32
    %add3A_13 = vector.broadcast %add3A_12 : i32 to vector<16xi32>
    %add3A_14 = arith.addi %iota3A, %add3A_13 : vector<16xi32>
    %add3A_15 = arith.constant 64 : i32
    %add3A_16 = vector.broadcast %add3A_15 : i32 to vector<16xi32>
    %add3A_17 = arith.addi %iota3A, %add3A_16 : vector<16xi32>
    %add3A_18 = arith.constant 80 : i32
    %add3A_19 = vector.broadcast %add3A_18 : i32 to vector<16xi32>
    %add3A_20 = arith.addi %iota3A, %add3A_19 : vector<16xi32>
    %add3A_21 = arith.constant 96 : i32
    %add3A_22 = vector.broadcast %add3A_21 : i32 to vector<16xi32>
    %add3A_23 = arith.addi %iota3A, %add3A_22 : vector<16xi32>
    %add3A_24 = arith.constant 112 : i32
    %add3A_25 = vector.broadcast %add3A_24 : i32 to vector<16xi32>
    %add3A_26 = arith.addi %iota3A, %add3A_25 : vector<16xi32>
    %scan3A = arith.constant 0 : i32
    %scan3A_27 = arith.constant 0 : i32
    %scan3A_28 = arith.constant 130 : i32
    %scan3A_29 = arith.addi %scan3A_27, %scan3A_28 : i32
    %scan3A_30 = arith.constant 1 : i32
    %scan3A_31 = scf.for %scan3A_137 = %scan3A_27 to %scan3A_29 step %scan3A_30 iter_args(%scan3A_138 = %scan3A) -> (i32)  : i32 {
      %mul3A_139 = arith.constant 16 : i32
      %mul3A_140 = arith.muli %scan3A_137, %mul3A_139 : i32
      %add3A_141 = vector.broadcast %mul3A_140 : i32 to vector<16xi32>
      %add3A_142 = arith.addi %iota3A, %add3A_141 : vector<16xi32>
      %mul3A_143 = arith.constant 16 : i32
      %mul3A_144 = arith.muli %scan3A_137, %mul3A_143 : i32
      %get3A = arith.index_cast %mul3A_144 : i32 to index
      %get3A_145 = tpu.vector_load %arg12[%get3A] {strides = array<i32>} : memref<2080xi32, #tpu.memory_space<vmem>>, vector<16xi32>,
      %eq3A = arith.cmpi eq, %get3A_145, %add3A_142 : vector<16xi32>
      %convert_element_type3A = arith.extui %eq3A : vector<16xi1> to vector<16xi32>
      %cumsum3A = arith.constant true
      %cumsum3A_146 = vector.broadcast %cumsum3A : i1 to vector<16xi1>
      %cumsum3A_147 = tpu.scan <sum>, %convert_element_type3A masked %cumsum3A_146 : vector<16xi32>, vector<16xi1> -> vector<16xi32>
      %add3A_148 = vector.broadcast %scan3A_138 : i32 to vector<16xi32>
      %add3A_149 = arith.addi %cumsum3A_147, %add3A_148 : vector<16xi32>
      %mul3A_150 = arith.constant 16 : i32
      %mul3A_151 = arith.muli %scan3A_137, %mul3A_150 : i32
      %swap3A_152 = arith.index_cast %mul3A_151 : i32 to index
      %swap3A_153 = tpu.vector_load %arg13[%swap3A_152] {strides = array<i32>} : memref<2080xi32, #tpu.memory_space<vmem>>, vector<16xi32>,
      tpu.vector_store %arg13[%swap3A_152], %add3A_149 {strides = array<i32>} : memref<2080xi32, #tpu.memory_space<vmem>>, vector<16xi32>,
      %slice3A = vector.extract_strided_slice %add3A_149 {offsets = [15], sizes = [1], strides = [1]} : vector<16xi32> to vector<1xi32>
      %squeeze3A = vector.extract %slice3A[0] : i32 from vector<1xi32>
      scf.yield %squeeze3A : i32
    }
    %scan3A_32 = arith.constant 130 : i32
    %scan3A_33 = arith.constant 0 : i32
    %scan3A_34 = arith.constant 0 : i32
    %scan3A_35 = arith.constant 130 : i32
    %scan3A_36 = arith.addi %scan3A_34, %scan3A_35 : i32
    %scan3A_37 = arith.constant 1 : i32
    scf.for %scan3A_137 = %scan3A_34 to %scan3A_36 step %scan3A_37  : i32 {
      %mul3A_138 = arith.constant 16 : i32
      %mul3A_139 = arith.muli %scan3A_137, %mul3A_138 : i32
      %add3A_140 = vector.broadcast %mul3A_139 : i32 to vector<16xi32>
      %add3A_141 = arith.addi %iota3A, %add3A_140 : vector<16xi32>
      %mul3A_142 = arith.constant 16 : i32
      %mul3A_143 = arith.muli %scan3A_137, %mul3A_142 : i32
      %get3A = arith.index_cast %mul3A_143 : i32 to index
      %get3A_144 = tpu.vector_load %arg11[%get3A] {strides = array<i32>} : memref<2080xi32, #tpu.memory_space<vmem>>, vector<16xi32>,
      %mul3A_145 = arith.constant 16 : i32
      %mul3A_146 = arith.muli %scan3A_137, %mul3A_145 : i32
      %get3A_147 = arith.index_cast %mul3A_146 : i32 to index
      %get3A_148 = tpu.vector_load %arg12[%get3A_147] {strides = array<i32>} : memref<2080xi32, #tpu.memory_space<vmem>>, vector<16xi32>,
      %max3A = arith.constant 0 : i32
      %max3A_149 = vector.broadcast %max3A : i32 to vector<16xi32>
      %max3A_150 = arith.maxsi %get3A_148, %max3A_149 : vector<16xi32>
      %gather3A = tpu.vector_load_idx %arg13[%max3A_150] : memref<2080xi32, #tpu.memory_space<vmem>>[vector<16xi32>], vector<16xi32>,
      %sub3A = arith.constant 1 : i32
      %sub3A_151 = vector.broadcast %sub3A : i32 to vector<16xi32>
      %sub3A_152 = arith.subi %gather3A, %sub3A_151 : vector<16xi32>
      %and3A = arith.constant 15 : i32
      %and3A_153 = vector.broadcast %and3A : i32 to vector<16xi32>
      %and3A_154 = arith.andi %sub3A_152, %and3A_153 : vector<16xi32>
      %ge3A = arith.constant 0 : i32
      %ge3A_155 = vector.broadcast %ge3A : i32 to vector<16xi32>
      %ge3A_156 = arith.cmpi sge, %get3A_144, %ge3A_155 : vector<16xi32>
      %lt3A = arith.constant 0 : i32
      %lt3A_157 = vector.broadcast %lt3A : i32 to vector<16xi32>
      %lt3A_158 = arith.cmpi slt, %get3A_148, %lt3A_157 : vector<16xi32>
      %jit3A = arith.constant 17 : i32
      %broadcast_in_dim3A_159 = vector.broadcast %jit3A : i32 to vector<16xi32>
      %select_n3A = arith.select %lt3A_158, %broadcast_in_dim3A_159, %and3A_154 : vector<16xi1>, vector<16xi32>
      %jit3A_160 = arith.constant 16 : i32
      %broadcast_in_dim3A_161 = vector.broadcast %jit3A_160 : i32 to vector<16xi32>
      %select_n3A_162 = arith.select %ge3A_156, %broadcast_in_dim3A_161, %select_n3A : vector<16xi1>, vector<16xi32>
      %mul3A_163 = arith.constant 16 : i32
      %mul3A_164 = arith.muli %scan3A_137, %mul3A_163 : i32
      %swap3A_165 = arith.index_cast %mul3A_164 : i32 to index
      %swap3A_166 = tpu.vector_load %arg14[%swap3A_165] {strides = array<i32>} : memref<2080xi32, #tpu.memory_space<vmem>>, vector<16xi32>,
      tpu.vector_store %arg14[%swap3A_165], %select_n3A_162 {strides = array<i32>} : memref<2080xi32, #tpu.memory_space<vmem>>, vector<16xi32>,
      %eq3A = arith.cmpi eq, %get3A_148, %add3A_141 : vector<16xi32>
      %mul3A_167 = arith.constant 16 : i32
      %mul3A_168 = arith.muli %scan3A_137, %mul3A_167 : i32
      %get3A_169 = arith.index_cast %mul3A_168 : i32 to index
      %get3A_170 = tpu.vector_load %arg13[%get3A_169] {strides = array<i32>} : memref<2080xi32, #tpu.memory_space<vmem>>, vector<16xi32>,
      %rem3A = arith.constant 104 : i32
      %rem3A_171 = vector.broadcast %rem3A : i32 to vector<16xi32>
      %rem3A_172 = arith.remsi %add3A_141, %rem3A_171 : vector<16xi32>
      %sub3A_173 = arith.constant 1 : i32
      %sub3A_174 = vector.broadcast %sub3A_173 : i32 to vector<16xi32>
      %sub3A_175 = arith.subi %get3A_170, %sub3A_174 : vector<16xi32>
      %max3A_176 = arith.constant 0 : i32
      %max3A_177 = vector.broadcast %max3A_176 : i32 to vector<16xi32>
      %max3A_178 = arith.maxsi %sub3A_175, %max3A_177 : vector<16xi32>
      tpu.vector_store_idx %arg15[%max3A_178], %rem3A_172 masked %eq3A : memref<320xi32, #tpu.memory_space<vmem>>[vector<16xi32>], vector<16xi32>, vector<16xi1>
    }
    %scan3A_38 = arith.constant 130 : i32
    %broadcast_in_dim3A = arith.constant 0.000000e+00 : f32
    %broadcast_in_dim3A_39 = vector.broadcast %broadcast_in_dim3A : f32 to vector<16xf32>
    %swap3A = arith.constant 2048 : index
    %swap3A_40 = tpu.vector_load %arg10[%swap3A] {strides = array<i32>} : memref<2304xf32, #tpu.memory_space<vmem>>, vector<16xf32>,
    tpu.vector_store %arg10[%swap3A], %broadcast_in_dim3A_39 {strides = array<i32>} : memref<2304xf32, #tpu.memory_space<vmem>>, vector<16xf32>,
    %broadcast_in_dim3A_41 = arith.constant 1.000000e+00 : f32
    %broadcast_in_dim3A_42 = vector.broadcast %broadcast_in_dim3A_41 : f32 to vector<16xf32>
    %swap3A_43 = arith.constant 2176 : index
    %swap3A_44 = tpu.vector_load %arg10[%swap3A_43] {strides = array<i32>} : memref<2304xf32, #tpu.memory_space<vmem>>, vector<16xf32>,
    tpu.vector_store %arg10[%swap3A_43], %broadcast_in_dim3A_42 {strides = array<i32>} : memref<2304xf32, #tpu.memory_space<vmem>>, vector<16xf32>,
    %broadcast_in_dim3A_45 = arith.constant 0.000000e+00 : f32
    %broadcast_in_dim3A_46 = vector.broadcast %broadcast_in_dim3A_45 : f32 to vector<16xf32>
    %swap3A_47 = arith.constant 2064 : index
    %swap3A_48 = tpu.vector_load %arg10[%swap3A_47] {strides = array<i32>} : memref<2304xf32, #tpu.memory_space<vmem>>, vector<16xf32>,
    tpu.vector_store %arg10[%swap3A_47], %broadcast_in_dim3A_46 {strides = array<i32>} : memref<2304xf32, #tpu.memory_space<vmem>>, vector<16xf32>,
    %broadcast_in_dim3A_49 = arith.constant 1.000000e+00 : f32
    %broadcast_in_dim3A_50 = vector.broadcast %broadcast_in_dim3A_49 : f32 to vector<16xf32>
    %swap3A_51 = arith.constant 2192 : index
    %swap3A_52 = tpu.vector_load %arg10[%swap3A_51] {strides = array<i32>} : memref<2304xf32, #tpu.memory_space<vmem>>, vector<16xf32>,
    tpu.vector_store %arg10[%swap3A_51], %broadcast_in_dim3A_50 {strides = array<i32>} : memref<2304xf32, #tpu.memory_space<vmem>>, vector<16xf32>,
    %broadcast_in_dim3A_53 = arith.constant 0.000000e+00 : f32
    %broadcast_in_dim3A_54 = vector.broadcast %broadcast_in_dim3A_53 : f32 to vector<16xf32>
    %swap3A_55 = arith.constant 2080 : index
    %swap3A_56 = tpu.vector_load %arg10[%swap3A_55] {strides = array<i32>} : memref<2304xf32, #tpu.memory_space<vmem>>, vector<16xf32>,
    tpu.vector_store %arg10[%swap3A_55], %broadcast_in_dim3A_54 {strides = array<i32>} : memref<2304xf32, #tpu.memory_space<vmem>>, vector<16xf32>,
    %broadcast_in_dim3A_57 = arith.constant 1.000000e+00 : f32
    %broadcast_in_dim3A_58 = vector.broadcast %broadcast_in_dim3A_57 : f32 to vector<16xf32>
    %swap3A_59 = arith.constant 2208 : index
    %swap3A_60 = tpu.vector_load %arg10[%swap3A_59] {strides = array<i32>} : memref<2304xf32, #tpu.memory_space<vmem>>, vector<16xf32>,
    tpu.vector_store %arg10[%swap3A_59], %broadcast_in_dim3A_58 {strides = array<i32>} : memref<2304xf32, #tpu.memory_space<vmem>>, vector<16xf32>,
    %broadcast_in_dim3A_61 = arith.constant 0.000000e+00 : f32
    %broadcast_in_dim3A_62 = vector.broadcast %broadcast_in_dim3A_61 : f32 to vector<16xf32>
    %swap3A_63 = arith.constant 2096 : index
    %swap3A_64 = tpu.vector_load %arg10[%swap3A_63] {strides = array<i32>} : memref<2304xf32, #tpu.memory_space<vmem>>, vector<16xf32>,
    tpu.vector_store %arg10[%swap3A_63], %broadcast_in_dim3A_62 {strides = array<i32>} : memref<2304xf32, #tpu.memory_space<vmem>>, vector<16xf32>,
    %broadcast_in_dim3A_65 = arith.constant 1.000000e+00 : f32
    %broadcast_in_dim3A_66 = vector.broadcast %broadcast_in_dim3A_65 : f32 to vector<16xf32>
    %swap3A_67 = arith.constant 2224 : index
    %swap3A_68 = tpu.vector_load %arg10[%swap3A_67] {strides = array<i32>} : memref<2304xf32, #tpu.memory_space<vmem>>, vector<16xf32>,
    tpu.vector_store %arg10[%swap3A_67], %broadcast_in_dim3A_66 {strides = array<i32>} : memref<2304xf32, #tpu.memory_space<vmem>>, vector<16xf32>,
    %broadcast_in_dim3A_69 = arith.constant 0.000000e+00 : f32
    %broadcast_in_dim3A_70 = vector.broadcast %broadcast_in_dim3A_69 : f32 to vector<16xf32>
    %swap3A_71 = arith.constant 2112 : index
    %swap3A_72 = tpu.vector_load %arg10[%swap3A_71] {strides = array<i32>} : memref<2304xf32, #tpu.memory_space<vmem>>, vector<16xf32>,
    tpu.vector_store %arg10[%swap3A_71], %broadcast_in_dim3A_70 {strides = array<i32>} : memref<2304xf32, #tpu.memory_space<vmem>>, vector<16xf32>,
    %broadcast_in_dim3A_73 = arith.constant 1.000000e+00 : f32
    %broadcast_in_dim3A_74 = vector.broadcast %broadcast_in_dim3A_73 : f32 to vector<16xf32>
    %swap3A_75 = arith.constant 2240 : index
    %swap3A_76 = tpu.vector_load %arg10[%swap3A_75] {strides = array<i32>} : memref<2304xf32, #tpu.memory_space<vmem>>, vector<16xf32>,
    tpu.vector_store %arg10[%swap3A_75], %broadcast_in_dim3A_74 {strides = array<i32>} : memref<2304xf32, #tpu.memory_space<vmem>>, vector<16xf32>,
    %broadcast_in_dim3A_77 = arith.constant 0.000000e+00 : f32
    %broadcast_in_dim3A_78 = vector.broadcast %broadcast_in_dim3A_77 : f32 to vector<16xf32>
    %swap3A_79 = arith.constant 2128 : index
    %swap3A_80 = tpu.vector_load %arg10[%swap3A_79] {strides = array<i32>} : memref<2304xf32, #tpu.memory_space<vmem>>, vector<16xf32>,
    tpu.vector_store %arg10[%swap3A_79], %broadcast_in_dim3A_78 {strides = array<i32>} : memref<2304xf32, #tpu.memory_space<vmem>>, vector<16xf32>,
    %broadcast_in_dim3A_81 = arith.constant 1.000000e+00 : f32
    %broadcast_in_dim3A_82 = vector.broadcast %broadcast_in_dim3A_81 : f32 to vector<16xf32>
    %swap3A_83 = arith.constant 2256 : index
    %swap3A_84 = tpu.vector_load %arg10[%swap3A_83] {strides = array<i32>} : memref<2304xf32, #tpu.memory_space<vmem>>, vector<16xf32>,
    tpu.vector_store %arg10[%swap3A_83], %broadcast_in_dim3A_82 {strides = array<i32>} : memref<2304xf32, #tpu.memory_space<vmem>>, vector<16xf32>,
    %broadcast_in_dim3A_85 = arith.constant 0.000000e+00 : f32
    %broadcast_in_dim3A_86 = vector.broadcast %broadcast_in_dim3A_85 : f32 to vector<16xf32>
    %swap3A_87 = arith.constant 2144 : index
    %swap3A_88 = tpu.vector_load %arg10[%swap3A_87] {strides = array<i32>} : memref<2304xf32, #tpu.memory_space<vmem>>, vector<16xf32>,
    tpu.vector_store %arg10[%swap3A_87], %broadcast_in_dim3A_86 {strides = array<i32>} : memref<2304xf32, #tpu.memory_space<vmem>>, vector<16xf32>,
    %broadcast_in_dim3A_89 = arith.constant 1.000000e+00 : f32
    %broadcast_in_dim3A_90 = vector.broadcast %broadcast_in_dim3A_89 : f32 to vector<16xf32>
    %swap3A_91 = arith.constant 2272 : index
    %swap3A_92 = tpu.vector_load %arg10[%swap3A_91] {strides = array<i32>} : memref<2304xf32, #tpu.memory_space<vmem>>, vector<16xf32>,
    tpu.vector_store %arg10[%swap3A_91], %broadcast_in_dim3A_90 {strides = array<i32>} : memref<2304xf32, #tpu.memory_space<vmem>>, vector<16xf32>,
    %broadcast_in_dim3A_93 = arith.constant 0.000000e+00 : f32
    %broadcast_in_dim3A_94 = vector.broadcast %broadcast_in_dim3A_93 : f32 to vector<16xf32>
    %swap3A_95 = arith.constant 2160 : index
    %swap3A_96 = tpu.vector_load %arg10[%swap3A_95] {strides = array<i32>} : memref<2304xf32, #tpu.memory_space<vmem>>, vector<16xf32>,
    tpu.vector_store %arg10[%swap3A_95], %broadcast_in_dim3A_94 {strides = array<i32>} : memref<2304xf32, #tpu.memory_space<vmem>>, vector<16xf32>,
    %broadcast_in_dim3A_97 = arith.constant 1.000000e+00 : f32
    %broadcast_in_dim3A_98 = vector.broadcast %broadcast_in_dim3A_97 : f32 to vector<16xf32>
    %swap3A_99 = arith.constant 2288 : index
    %swap3A_100 = tpu.vector_load %arg10[%swap3A_99] {strides = array<i32>} : memref<2304xf32, #tpu.memory_space<vmem>>, vector<16xf32>,
    tpu.vector_store %arg10[%swap3A_99], %broadcast_in_dim3A_98 {strides = array<i32>} : memref<2304xf32, #tpu.memory_space<vmem>>, vector<16xf32>,
    %add3A_101 = arith.constant 0 : i32
    %add3A_102 = arith.addi %mul3A_2, %add3A_101 : i32
    %mul3A_103 = arith.constant 128 : i32
    %mul3A_104 = arith.muli %add3A_102, %mul3A_103 : i32
    %dma_start3A = arith.constant 0 : i32
    %dma_start3A_105 = tpu.memref_slice %arg2[%dma_start3A, %mul3A_104] : memref<2080x16384xf32, #tpu.memory_space<hbm>> -> memref<104x128xf32, #tpu.memory_space<hbm>>
    %dma_start3A_106 = arith.constant 0 : i32
    %dma_start3A_107 = tpu.memref_slice %arg2[%dma_start3A_106, %mul3A_104] : memref<2080x16384xf32, #tpu.memory_space<hbm>> -> memref<104x128xf32, #tpu.memory_space<hbm>>
    tpu.enqueue_dma source(%dma_start3A_107 : memref<104x128xf32, #tpu.memory_space<hbm>>) target(%arg6 : memref<104x128xf32, #tpu.memory_space<vmem>>) target_semaphore(%arg16 : memref<!tpu.dma_semaphore, #tpu.memory_space<semaphore_mem>>)
    %add3A_108 = arith.constant 0 : i32
    %add3A_109 = arith.addi %mul3A_2, %add3A_108 : i32
    %mul3A_110 = arith.constant 128 : i32
    %mul3A_111 = arith.muli %add3A_109, %mul3A_110 : i32
    %dma_start3A_112 = arith.constant 104 : i32
    %dma_start3A_113 = tpu.memref_slice %arg2[%dma_start3A_112, %mul3A_111] : memref<2080x16384xf32, #tpu.memory_space<hbm>> -> memref<104x128xf32, #tpu.memory_space<hbm>>
    %dma_start3A_114 = arith.constant 104 : i32
    %dma_start3A_115 = tpu.memref_slice %arg2[%dma_start3A_114, %mul3A_111] : memref<2080x16384xf32, #tpu.memory_space<hbm>> -> memref<104x128xf32, #tpu.memory_space<hbm>>
    tpu.enqueue_dma source(%dma_start3A_115 : memref<104x128xf32, #tpu.memory_space<hbm>>) target(%arg7 : memref<104x128xf32, #tpu.memory_space<vmem>>) target_semaphore(%arg17 : memref<!tpu.dma_semaphore, #tpu.memory_space<semaphore_mem>>)
    %scan3A_116 = arith.constant 0 : i32
    %scan3A_117 = arith.constant 0 : i32
    %scan3A_118 = arith.constant 40 : i32
    %scan3A_119 = arith.addi %scan3A_117, %scan3A_118 : i32
    %scan3A_120 = arith.constant 1 : i32
    scf.for %scan3A_137 = %scan3A_117 to %scan3A_119 step %scan3A_120  : i32 {
      %mul3A_138 = arith.constant 2 : i32
      %mul3A_139 = arith.muli %mul3A_138, %scan3A_137 : i32
      %jit3A = arith.constant 20 : i32
      %eq3A = arith.constant 0 : i32
      %eq3A_140 = arith.cmpi eq, %jit3A, %eq3A : i32
      %jit3A_141 = arith.constant 1 : i32
      %select_n3A = arith.select %eq3A_140, %jit3A_141, %jit3A : i32
      %rem3A = arith.remsi %mul3A_139, %select_n3A : i32
      %ne3A = arith.constant 0 : i32
      %ne3A_142 = arith.cmpi ne, %rem3A, %ne3A : i32
      %lt3A = arith.constant 0 : i32
      %lt3A_143 = arith.cmpi slt, %rem3A, %lt3A : i32
      %lt3A_144 = arith.constant 0 : i32
      %lt3A_145 = arith.cmpi slt, %select_n3A, %lt3A_144 : i32
      %ne3A_146 = arith.xori %lt3A_143, %lt3A_145 : i1
      %and3A = arith.andi %ne3A_146, %ne3A_142 : i1
      %add3A_147 = arith.addi %rem3A, %select_n3A : i32
      %select_n3A_148 = arith.select %and3A, %add3A_147, %rem3A : i32
      %jit3A_149 = arith.constant 20 : i32
      %div3A = arith.divsi %mul3A_139, %jit3A_149 : i32
      %sign3A = arith.constant 0 : i32
      %sign3A_150 = arith.cmpi sgt, %mul3A_139, %sign3A : i32
      %sign3A_151 = arith.extui %sign3A_150 : i1 to i32
      %sign3A_152 = arith.constant 0 : i32
      %sign3A_153 = arith.cmpi slt, %mul3A_139, %sign3A_152 : i32
      %sign3A_154 = arith.extui %sign3A_153 : i1 to i32
      %sign3A_155 = arith.subi %sign3A_151, %sign3A_154 : i32
      %sign3A_156 = arith.constant 0 : i32
      %sign3A_157 = arith.cmpi sgt, %jit3A_149, %sign3A_156 : i32
      %sign3A_158 = arith.extui %sign3A_157 : i1 to i32
      %sign3A_159 = arith.constant 0 : i32
      %sign3A_160 = arith.cmpi slt, %jit3A_149, %sign3A_159 : i32
      %sign3A_161 = arith.extui %sign3A_160 : i1 to i32
      %sign3A_162 = arith.subi %sign3A_158, %sign3A_161 : i32
      %ne3A_163 = arith.cmpi ne, %sign3A_155, %sign3A_162 : i32
      %rem3A_164 = arith.remsi %mul3A_139, %jit3A_149 : i32
      %ne3A_165 = arith.constant 0 : i32
      %ne3A_166 = arith.cmpi ne, %rem3A_164, %ne3A_165 : i32
      %and3A_167 = arith.andi %ne3A_163, %ne3A_166 : i1
      %sub3A = arith.constant 1 : i32
      %sub3A_168 = arith.subi %div3A, %sub3A : i32
      %select_n3A_169 = arith.select %and3A_167, %sub3A_168, %div3A : i32
      %add3A_170 = arith.addi %mul3A_2, %select_n3A_169 : i32
      %mul3A_171 = arith.constant 104 : i32
      %mul3A_172 = arith.muli %select_n3A_148, %mul3A_171 : i32
      %mul3A_173 = arith.constant 128 : i32
      %mul3A_174 = arith.muli %add3A_170, %mul3A_173 : i32
      %dma_wait3A_175 = tpu.memref_slice %arg2[%mul3A_172, %mul3A_174] : memref<2080x16384xf32, #tpu.memory_space<hbm>> -> memref<104x128xf32, #tpu.memory_space<hbm>>
      %dma_wait3A_176 = tpu.memref_slice %arg2[%mul3A_172, %mul3A_174] : memref<2080x16384xf32, #tpu.memory_space<hbm>> -> memref<104x128xf32, #tpu.memory_space<hbm>>
      tpu.wait_dma2 semaphore(%arg16 : memref<!tpu.dma_semaphore, #tpu.memory_space<semaphore_mem>>) src(%dma_wait3A_176 : memref<104x128xf32, #tpu.memory_space<hbm>>) dst(%arg6 : memref<104x128xf32, #tpu.memory_space<vmem>>)
      %gt3A = arith.constant 0 : i32
      %gt3A_177 = arith.cmpi sgt, %scan3A_137, %gt3A : i32
      %convert_element_type3A = arith.extui %gt3A_177 : i1 to i32
      %cond3A = arith.constant 0 : i32
      %cond3A_178 = arith.cmpi ne, %convert_element_type3A, %cond3A : i32
      scf.if %cond3A_178 {
        %sub3A_378 = arith.constant 2 : i32
        %sub3A_379 = arith.subi %mul3A_139, %sub3A_378 : i32
        %jit3A_380 = arith.constant 20 : i32
        %eq3A_381 = arith.constant 0 : i32
        %eq3A_382 = arith.cmpi eq, %jit3A_380, %eq3A_381 : i32
        %jit3A_383 = arith.constant 1 : i32
        %select_n3A_384 = arith.select %eq3A_382, %jit3A_383, %jit3A_380 : i32
        %rem3A_385 = arith.remsi %sub3A_379, %select_n3A_384 : i32
        %ne3A_386 = arith.constant 0 : i32
        %ne3A_387 = arith.cmpi ne, %rem3A_385, %ne3A_386 : i32
        %lt3A_388 = arith.constant 0 : i32
        %lt3A_389 = arith.cmpi slt, %rem3A_385, %lt3A_388 : i32
        %lt3A_390 = arith.constant 0 : i32
        %lt3A_391 = arith.cmpi slt, %select_n3A_384, %lt3A_390 : i32
        %ne3A_392 = arith.xori %lt3A_389, %lt3A_391 : i1
        %and3A_393 = arith.andi %ne3A_392, %ne3A_387 : i1
        %add3A_394 = arith.addi %rem3A_385, %select_n3A_384 : i32
        %select_n3A_395 = arith.select %and3A_393, %add3A_394, %rem3A_385 : i32
        %jit3A_396 = arith.constant 20 : i32
        %div3A_397 = arith.divsi %sub3A_379, %jit3A_396 : i32
        %sign3A_398 = arith.constant 0 : i32
        %sign3A_399 = arith.cmpi sgt, %sub3A_379, %sign3A_398 : i32
        %sign3A_400 = arith.extui %sign3A_399 : i1 to i32
        %sign3A_401 = arith.constant 0 : i32
        %sign3A_402 = arith.cmpi slt, %sub3A_379, %sign3A_401 : i32
        %sign3A_403 = arith.extui %sign3A_402 : i1 to i32
        %sign3A_404 = arith.subi %sign3A_400, %sign3A_403 : i32
        %sign3A_405 = arith.constant 0 : i32
        %sign3A_406 = arith.cmpi sgt, %jit3A_396, %sign3A_405 : i32
        %sign3A_407 = arith.extui %sign3A_406 : i1 to i32
        %sign3A_408 = arith.constant 0 : i32
        %sign3A_409 = arith.cmpi slt, %jit3A_396, %sign3A_408 : i32
        %sign3A_410 = arith.extui %sign3A_409 : i1 to i32
        %sign3A_411 = arith.subi %sign3A_407, %sign3A_410 : i32
        %ne3A_412 = arith.cmpi ne, %sign3A_404, %sign3A_411 : i32
        %rem3A_413 = arith.remsi %sub3A_379, %jit3A_396 : i32
        %ne3A_414 = arith.constant 0 : i32
        %ne3A_415 = arith.cmpi ne, %rem3A_413, %ne3A_414 : i32
        %and3A_416 = arith.andi %ne3A_412, %ne3A_415 : i1
        %sub3A_417 = arith.constant 1 : i32
        %sub3A_418 = arith.subi %div3A_397, %sub3A_417 : i32
        %select_n3A_419 = arith.select %and3A_416, %sub3A_418, %div3A_397 : i32
        %add3A_420 = arith.addi %mul3A_2, %select_n3A_419 : i32
        %mul3A_421 = arith.constant 104 : i32
        %mul3A_422 = arith.muli %select_n3A_395, %mul3A_421 : i32
        %mul3A_423 = arith.constant 128 : i32
        %mul3A_424 = arith.muli %add3A_420, %mul3A_423 : i32
        %dma_wait3A_425 = tpu.memref_slice %arg5[%mul3A_422, %mul3A_424] : memref<2080x16384xf32, #tpu.memory_space<hbm>> -> memref<104x128xf32, #tpu.memory_space<hbm>>
        %dma_wait3A_426 = tpu.memref_slice %arg5[%mul3A_422, %mul3A_424] : memref<2080x16384xf32, #tpu.memory_space<hbm>> -> memref<104x128xf32, #tpu.memory_space<hbm>>
        tpu.wait_dma2 semaphore(%arg18 : memref<!tpu.dma_semaphore, #tpu.memory_space<semaphore_mem>>) src(%arg8 : memref<104x128xf32, #tpu.memory_space<vmem>>) dst(%dma_wait3A_426 : memref<104x128xf32, #tpu.memory_space<hbm>>)
      } else {
      }
      %jit3A_179 = arith.constant 20 : i32
      %eq3A_180 = arith.constant 0 : i32
      %eq3A_181 = arith.cmpi eq, %jit3A_179, %eq3A_180 : i32
      %jit3A_182 = arith.constant 1 : i32
      %select_n3A_183 = arith.select %eq3A_181, %jit3A_182, %jit3A_179 : i32
      %rem3A_184 = arith.remsi %mul3A_139, %select_n3A_183 : i32
      %ne3A_185 = arith.constant 0 : i32
      %ne3A_186 = arith.cmpi ne, %rem3A_184, %ne3A_185 : i32
      %lt3A_187 = arith.constant 0 : i32
      %lt3A_188 = arith.cmpi slt, %rem3A_184, %lt3A_187 : i32
      %lt3A_189 = arith.constant 0 : i32
      %lt3A_190 = arith.cmpi slt, %select_n3A_183, %lt3A_189 : i32
      %ne3A_191 = arith.xori %lt3A_188, %lt3A_190 : i1
      %and3A_192 = arith.andi %ne3A_191, %ne3A_186 : i1
      %add3A_193 = arith.addi %rem3A_184, %select_n3A_183 : i32
      %select_n3A_194 = arith.select %and3A_192, %add3A_193, %rem3A_184 : i32
      %parallel_loop3A = arith.constant 0 : i32
      %parallel_loop3A_195 = arith.constant 104 : i32
      %parallel_loop3A_196 = arith.constant 1 : i32
      scf.for %parallel_loop3A_378 = %parallel_loop3A to %parallel_loop3A_195 step %parallel_loop3A_196  : i32 {
        %parallel_loop3A_379 = arith.index_cast %parallel_loop3A_378 : i32 to index
        %parallel_loop3A_380 = arith.constant 0 : index
        %parallel_loop3A_381 = tpu.vector_load %arg6[%parallel_loop3A_379, %parallel_loop3A_380] {strides = array<i32>} : memref<104x128xf32, #tpu.memory_space<vmem>>, vector<16xf32>,
        %parallel_loop3A_382 = arith.index_cast %parallel_loop3A_378 : i32 to index
        %parallel_loop3A_383 = arith.constant 0 : index
        %parallel_loop3A_384 = tpu.vector_load %arg8[%parallel_loop3A_382, %parallel_loop3A_383] {strides = array<i32>} : memref<104x128xf32, #tpu.memory_space<vmem>>, vector<16xf32>,
        tpu.vector_store %arg8[%parallel_loop3A_382, %parallel_loop3A_383], %parallel_loop3A_381 {strides = array<i32>} : memref<104x128xf32, #tpu.memory_space<vmem>>, vector<16xf32>,
        %parallel_loop3A_385 = arith.index_cast %parallel_loop3A_378 : i32 to index
        %parallel_loop3A_386 = arith.constant 16 : index
        %parallel_loop3A_387 = tpu.vector_load %arg6[%parallel_loop3A_385, %parallel_loop3A_386] {strides = array<i32>} : memref<104x128xf32, #tpu.memory_space<vmem>>, vector<16xf32>,
        %parallel_loop3A_388 = arith.index_cast %parallel_loop3A_378 : i32 to index
        %parallel_loop3A_389 = arith.constant 16 : index
        %parallel_loop3A_390 = tpu.vector_load %arg8[%parallel_loop3A_388, %parallel_loop3A_389] {strides = array<i32>} : memref<104x128xf32, #tpu.memory_space<vmem>>, vector<16xf32>,
        tpu.vector_store %arg8[%parallel_loop3A_388, %parallel_loop3A_389], %parallel_loop3A_387 {strides = array<i32>} : memref<104x128xf32, #tpu.memory_space<vmem>>, vector<16xf32>,
        %parallel_loop3A_391 = arith.index_cast %parallel_loop3A_378 : i32 to index
        %parallel_loop3A_392 = arith.constant 32 : index
        %parallel_loop3A_393 = tpu.vector_load %arg6[%parallel_loop3A_391, %parallel_loop3A_392] {strides = array<i32>} : memref<104x128xf32, #tpu.memory_space<vmem>>, vector<16xf32>,
        %parallel_loop3A_394 = arith.index_cast %parallel_loop3A_378 : i32 to index
        %parallel_loop3A_395 = arith.constant 32 : index
        %parallel_loop3A_396 = tpu.vector_load %arg8[%parallel_loop3A_394, %parallel_loop3A_395] {strides = array<i32>} : memref<104x128xf32, #tpu.memory_space<vmem>>, vector<16xf32>,
        tpu.vector_store %arg8[%parallel_loop3A_394, %parallel_loop3A_395], %parallel_loop3A_393 {strides = array<i32>} : memref<104x128xf32, #tpu.memory_space<vmem>>, vector<16xf32>,
        %parallel_loop3A_397 = arith.index_cast %parallel_loop3A_378 : i32 to index
        %parallel_loop3A_398 = arith.constant 48 : index
        %parallel_loop3A_399 = tpu.vector_load %arg6[%parallel_loop3A_397, %parallel_loop3A_398] {strides = array<i32>} : memref<104x128xf32, #tpu.memory_space<vmem>>, vector<16xf32>,
        %parallel_loop3A_400 = arith.index_cast %parallel_loop3A_378 : i32 to index
        %parallel_loop3A_401 = arith.constant 48 : index
        %parallel_loop3A_402 = tpu.vector_load %arg8[%parallel_loop3A_400, %parallel_loop3A_401] {strides = array<i32>} : memref<104x128xf32, #tpu.memory_space<vmem>>, vector<16xf32>,
        tpu.vector_store %arg8[%parallel_loop3A_400, %parallel_loop3A_401], %parallel_loop3A_399 {strides = array<i32>} : memref<104x128xf32, #tpu.memory_space<vmem>>, vector<16xf32>,
        %parallel_loop3A_403 = arith.index_cast %parallel_loop3A_378 : i32 to index
        %parallel_loop3A_404 = arith.constant 64 : index
        %parallel_loop3A_405 = tpu.vector_load %arg6[%parallel_loop3A_403, %parallel_loop3A_404] {strides = array<i32>} : memref<104x128xf32, #tpu.memory_space<vmem>>, vector<16xf32>,
        %parallel_loop3A_406 = arith.index_cast %parallel_loop3A_378 : i32 to index
        %parallel_loop3A_407 = arith.constant 64 : index
        %parallel_loop3A_408 = tpu.vector_load %arg8[%parallel_loop3A_406, %parallel_loop3A_407] {strides = array<i32>} : memref<104x128xf32, #tpu.memory_space<vmem>>, vector<16xf32>,
        tpu.vector_store %arg8[%parallel_loop3A_406, %parallel_loop3A_407], %parallel_loop3A_405 {strides = array<i32>} : memref<104x128xf32, #tpu.memory_space<vmem>>, vector<16xf32>,
        %parallel_loop3A_409 = arith.index_cast %parallel_loop3A_378 : i32 to index
        %parallel_loop3A_410 = arith.constant 80 : index
        %parallel_loop3A_411 = tpu.vector_load %arg6[%parallel_loop3A_409, %parallel_loop3A_410] {strides = array<i32>} : memref<104x128xf32, #tpu.memory_space<vmem>>, vector<16xf32>,
        %parallel_loop3A_412 = arith.index_cast %parallel_loop3A_378 : i32 to index
        %parallel_loop3A_413 = arith.constant 80 : index
        %parallel_loop3A_414 = tpu.vector_load %arg8[%parallel_loop3A_412, %parallel_loop3A_413] {strides = array<i32>} : memref<104x128xf32, #tpu.memory_space<vmem>>, vector<16xf32>,
        tpu.vector_store %arg8[%parallel_loop3A_412, %parallel_loop3A_413], %parallel_loop3A_411 {strides = array<i32>} : memref<104x128xf32, #tpu.memory_space<vmem>>, vector<16xf32>,
        %parallel_loop3A_415 = arith.index_cast %parallel_loop3A_378 : i32 to index
        %parallel_loop3A_416 = arith.constant 96 : index
        %parallel_loop3A_417 = tpu.vector_load %arg6[%parallel_loop3A_415, %parallel_loop3A_416] {strides = array<i32>} : memref<104x128xf32, #tpu.memory_space<vmem>>, vector<16xf32>,
        %parallel_loop3A_418 = arith.index_cast %parallel_loop3A_378 : i32 to index
        %parallel_loop3A_419 = arith.constant 96 : index
        %parallel_loop3A_420 = tpu.vector_load %arg8[%parallel_loop3A_418, %parallel_loop3A_419] {strides = array<i32>} : memref<104x128xf32, #tpu.memory_space<vmem>>, vector<16xf32>,
        tpu.vector_store %arg8[%parallel_loop3A_418, %parallel_loop3A_419], %parallel_loop3A_417 {strides = array<i32>} : memref<104x128xf32, #tpu.memory_space<vmem>>, vector<16xf32>,
        %parallel_loop3A_421 = arith.index_cast %parallel_loop3A_378 : i32 to index
        %parallel_loop3A_422 = arith.constant 112 : index
        %parallel_loop3A_423 = tpu.vector_load %arg6[%parallel_loop3A_421, %parallel_loop3A_422] {strides = array<i32>} : memref<104x128xf32, #tpu.memory_space<vmem>>, vector<16xf32>,
        %parallel_loop3A_424 = arith.index_cast %parallel_loop3A_378 : i32 to index
        %parallel_loop3A_425 = arith.constant 112 : index
        %parallel_loop3A_426 = tpu.vector_load %arg8[%parallel_loop3A_424, %parallel_loop3A_425] {strides = array<i32>} : memref<104x128xf32, #tpu.memory_space<vmem>>, vector<16xf32>,
        tpu.vector_store %arg8[%parallel_loop3A_424, %parallel_loop3A_425], %parallel_loop3A_423 {strides = array<i32>} : memref<104x128xf32, #tpu.memory_space<vmem>>, vector<16xf32>,
      } {sc.loop_unroll_factor = 2 : i64, sc.parallel_access}
      %jit3A_197 = arith.constant 20 : i32
      %eq3A_198 = arith.constant 0 : i32
      %eq3A_199 = arith.cmpi eq, %jit3A_197, %eq3A_198 : i32
      %jit3A_200 = arith.constant 1 : i32
      %select_n3A_201 = arith.select %eq3A_199, %jit3A_200, %jit3A_197 : i32
      %rem3A_202 = arith.remsi %mul3A_139, %select_n3A_201 : i32
      %ne3A_203 = arith.constant 0 : i32
      %ne3A_204 = arith.cmpi ne, %rem3A_202, %ne3A_203 : i32
      %lt3A_205 = arith.constant 0 : i32
      %lt3A_206 = arith.cmpi slt, %rem3A_202, %lt3A_205 : i32
      %lt3A_207 = arith.constant 0 : i32
      %lt3A_208 = arith.cmpi slt, %select_n3A_201, %lt3A_207 : i32
      %ne3A_209 = arith.xori %lt3A_206, %lt3A_208 : i1
      %and3A_210 = arith.andi %ne3A_209, %ne3A_204 : i1
      %add3A_211 = arith.addi %rem3A_202, %select_n3A_201 : i32
      %select_n3A_212 = arith.select %and3A_210, %add3A_211, %rem3A_202 : i32
      %jit3A_213 = arith.constant 20 : i32
      %div3A_214 = arith.divsi %mul3A_139, %jit3A_213 : i32
      %sign3A_215 = arith.constant 0 : i32
      %sign3A_216 = arith.cmpi sgt, %mul3A_139, %sign3A_215 : i32
      %sign3A_217 = arith.extui %sign3A_216 : i1 to i32
      %sign3A_218 = arith.constant 0 : i32
      %sign3A_219 = arith.cmpi slt, %mul3A_139, %sign3A_218 : i32
      %sign3A_220 = arith.extui %sign3A_219 : i1 to i32
      %sign3A_221 = arith.subi %sign3A_217, %sign3A_220 : i32
      %sign3A_222 = arith.constant 0 : i32
      %sign3A_223 = arith.cmpi sgt, %jit3A_213, %sign3A_222 : i32
      %sign3A_224 = arith.extui %sign3A_223 : i1 to i32
      %sign3A_225 = arith.constant 0 : i32
      %sign3A_226 = arith.cmpi slt, %jit3A_213, %sign3A_225 : i32
      %sign3A_227 = arith.extui %sign3A_226 : i1 to i32
      %sign3A_228 = arith.subi %sign3A_224, %sign3A_227 : i32
      %ne3A_229 = arith.cmpi ne, %sign3A_221, %sign3A_228 : i32
      %rem3A_230 = arith.remsi %mul3A_139, %jit3A_213 : i32
      %ne3A_231 = arith.constant 0 : i32
      %ne3A_232 = arith.cmpi ne, %rem3A_230, %ne3A_231 : i32
      %and3A_233 = arith.andi %ne3A_229, %ne3A_232 : i1
      %sub3A_234 = arith.constant 1 : i32
      %sub3A_235 = arith.subi %div3A_214, %sub3A_234 : i32
      %select_n3A_236 = arith.select %and3A_233, %sub3A_235, %div3A_214 : i32
      %add3A_237 = arith.addi %mul3A_2, %select_n3A_236 : i32
      %mul3A_238 = arith.constant 104 : i32
      %mul3A_239 = arith.muli %select_n3A_212, %mul3A_238 : i32
      %mul3A_240 = arith.constant 128 : i32
      %mul3A_241 = arith.muli %add3A_237, %mul3A_240 : i32
      %dma_start3A_242 = tpu.memref_slice %arg5[%mul3A_239, %mul3A_241] : memref<2080x16384xf32, #tpu.memory_space<hbm>> -> memref<104x128xf32, #tpu.memory_space<hbm>>
      %dma_start3A_243 = tpu.memref_slice %arg5[%mul3A_239, %mul3A_241] : memref<2080x16384xf32, #tpu.memory_space<hbm>> -> memref<104x128xf32, #tpu.memory_space<hbm>>
      tpu.enqueue_dma source(%arg8 : memref<104x128xf32, #tpu.memory_space<vmem>>) target(%dma_start3A_243 : memref<104x128xf32, #tpu.memory_space<hbm>>) target_semaphore(%arg18 : memref<!tpu.dma_semaphore, #tpu.memory_space<semaphore_mem>>)
      %lt3A_244 = arith.constant 39 : i32
      %lt3A_245 = arith.cmpi slt, %scan3A_137, %lt3A_244 : i32
      %convert_element_type3A_246 = arith.extui %lt3A_245 : i1 to i32
      %cond3A_247 = arith.constant 0 : i32
      %cond3A_248 = arith.cmpi ne, %convert_element_type3A_246, %cond3A_247 : i32
      scf.if %cond3A_248 {
        %add3A_378 = arith.constant 2 : i32
        %add3A_379 = arith.addi %mul3A_139, %add3A_378 : i32
        %jit3A_380 = arith.constant 20 : i32
        %eq3A_381 = arith.constant 0 : i32
        %eq3A_382 = arith.cmpi eq, %jit3A_380, %eq3A_381 : i32
        %jit3A_383 = arith.constant 1 : i32
        %select_n3A_384 = arith.select %eq3A_382, %jit3A_383, %jit3A_380 : i32
        %rem3A_385 = arith.remsi %add3A_379, %select_n3A_384 : i32
        %ne3A_386 = arith.constant 0 : i32
        %ne3A_387 = arith.cmpi ne, %rem3A_385, %ne3A_386 : i32
        %lt3A_388 = arith.constant 0 : i32
        %lt3A_389 = arith.cmpi slt, %rem3A_385, %lt3A_388 : i32
        %lt3A_390 = arith.constant 0 : i32
        %lt3A_391 = arith.cmpi slt, %select_n3A_384, %lt3A_390 : i32
        %ne3A_392 = arith.xori %lt3A_389, %lt3A_391 : i1
        %and3A_393 = arith.andi %ne3A_392, %ne3A_387 : i1
        %add3A_394 = arith.addi %rem3A_385, %select_n3A_384 : i32
        %select_n3A_395 = arith.select %and3A_393, %add3A_394, %rem3A_385 : i32
        %jit3A_396 = arith.constant 20 : i32
        %div3A_397 = arith.divsi %add3A_379, %jit3A_396 : i32
        %sign3A_398 = arith.constant 0 : i32
        %sign3A_399 = arith.cmpi sgt, %add3A_379, %sign3A_398 : i32
        %sign3A_400 = arith.extui %sign3A_399 : i1 to i32
        %sign3A_401 = arith.constant 0 : i32
        %sign3A_402 = arith.cmpi slt, %add3A_379, %sign3A_401 : i32
        %sign3A_403 = arith.extui %sign3A_402 : i1 to i32
        %sign3A_404 = arith.subi %sign3A_400, %sign3A_403 : i32
        %sign3A_405 = arith.constant 0 : i32
        %sign3A_406 = arith.cmpi sgt, %jit3A_396, %sign3A_405 : i32
        %sign3A_407 = arith.extui %sign3A_406 : i1 to i32
        %sign3A_408 = arith.constant 0 : i32
        %sign3A_409 = arith.cmpi slt, %jit3A_396, %sign3A_408 : i32
        %sign3A_410 = arith.extui %sign3A_409 : i1 to i32
        %sign3A_411 = arith.subi %sign3A_407, %sign3A_410 : i32
        %ne3A_412 = arith.cmpi ne, %sign3A_404, %sign3A_411 : i32
        %rem3A_413 = arith.remsi %add3A_379, %jit3A_396 : i32
        %ne3A_414 = arith.constant 0 : i32
        %ne3A_415 = arith.cmpi ne, %rem3A_413, %ne3A_414 : i32
        %and3A_416 = arith.andi %ne3A_412, %ne3A_415 : i1
        %sub3A_417 = arith.constant 1 : i32
        %sub3A_418 = arith.subi %div3A_397, %sub3A_417 : i32
        %select_n3A_419 = arith.select %and3A_416, %sub3A_418, %div3A_397 : i32
        %add3A_420 = arith.addi %mul3A_2, %select_n3A_419 : i32
        %mul3A_421 = arith.constant 104 : i32
        %mul3A_422 = arith.muli %select_n3A_395, %mul3A_421 : i32
        %mul3A_423 = arith.constant 128 : i32
        %mul3A_424 = arith.muli %add3A_420, %mul3A_423 : i32
        %dma_start3A_425 = tpu.memref_slice %arg2[%mul3A_422, %mul3A_424] : memref<2080x16384xf32, #tpu.memory_space<hbm>> -> memref<104x128xf32, #tpu.memory_space<hbm>>
        %dma_start3A_426 = tpu.memref_slice %arg2[%mul3A_422, %mul3A_424] : memref<2080x16384xf32, #tpu.memory_space<hbm>> -> memref<104x128xf32, #tpu.memory_space<hbm>>
        tpu.enqueue_dma source(%dma_start3A_426 : memref<104x128xf32, #tpu.memory_space<hbm>>) target(%arg6 : memref<104x128xf32, #tpu.memory_space<vmem>>) target_semaphore(%arg16 : memref<!tpu.dma_semaphore, #tpu.memory_space<semaphore_mem>>)
      } else {
      }
      %add3A_249 = arith.constant 1 : i32
      %add3A_250 = arith.addi %mul3A_139, %add3A_249 : i32
      %jit3A_251 = arith.constant 20 : i32
      %eq3A_252 = arith.constant 0 : i32
      %eq3A_253 = arith.cmpi eq, %jit3A_251, %eq3A_252 : i32
      %jit3A_254 = arith.constant 1 : i32
      %select_n3A_255 = arith.select %eq3A_253, %jit3A_254, %jit3A_251 : i32
      %rem3A_256 = arith.remsi %add3A_250, %select_n3A_255 : i32
      %ne3A_257 = arith.constant 0 : i32
      %ne3A_258 = arith.cmpi ne, %rem3A_256, %ne3A_257 : i32
      %lt3A_259 = arith.constant 0 : i32
      %lt3A_260 = arith.cmpi slt, %rem3A_256, %lt3A_259 : i32
      %lt3A_261 = arith.constant 0 : i32
      %lt3A_262 = arith.cmpi slt, %select_n3A_255, %lt3A_261 : i32
      %ne3A_263 = arith.xori %lt3A_260, %lt3A_262 : i1
      %and3A_264 = arith.andi %ne3A_263, %ne3A_258 : i1
      %add3A_265 = arith.addi %rem3A_256, %select_n3A_255 : i32
      %select_n3A_266 = arith.select %and3A_264, %add3A_265, %rem3A_256 : i32
      %jit3A_267 = arith.constant 20 : i32
      %div3A_268 = arith.divsi %add3A_250, %jit3A_267 : i32
      %sign3A_269 = arith.constant 0 : i32
      %sign3A_270 = arith.cmpi sgt, %add3A_250, %sign3A_269 : i32
      %sign3A_271 = arith.extui %sign3A_270 : i1 to i32
      %sign3A_272 = arith.constant 0 : i32
      %sign3A_273 = arith.cmpi slt, %add3A_250, %sign3A_272 : i32
      %sign3A_274 = arith.extui %sign3A_273 : i1 to i32
      %sign3A_275 = arith.subi %sign3A_271, %sign3A_274 : i32
      %sign3A_276 = arith.constant 0 : i32
      %sign3A_277 = arith.cmpi sgt, %jit3A_267, %sign3A_276 : i32
      %sign3A_278 = arith.extui %sign3A_277 : i1 to i32
      %sign3A_279 = arith.constant 0 : i32
      %sign3A_280 = arith.cmpi slt, %jit3A_267, %sign3A_279 : i32
      %sign3A_281 = arith.extui %sign3A_280 : i1 to i32
      %sign3A_282 = arith.subi %sign3A_278, %sign3A_281 : i32
      %ne3A_283 = arith.cmpi ne, %sign3A_275, %sign3A_282 : i32
      %rem3A_284 = arith.remsi %add3A_250, %jit3A_267 : i32
      %ne3A_285 = arith.constant 0 : i32
      %ne3A_286 = arith.cmpi ne, %rem3A_284, %ne3A_285 : i32
      %and3A_287 = arith.andi %ne3A_283, %ne3A_286 : i1
      %sub3A_288 = arith.constant 1 : i32
      %sub3A_289 = arith.subi %div3A_268, %sub3A_288 : i32
      %select_n3A_290 = arith.select %and3A_287, %sub3A_289, %div3A_268 : i32
      %add3A_291 = arith.addi %mul3A_2, %select_n3A_290 : i32
      %mul3A_292 = arith.constant 104 : i32
      %mul3A_293 = arith.muli %select_n3A_266, %mul3A_292 : i32
      %mul3A_294 = arith.constant 128 : i32
      %mul3A_295 = arith.muli %add3A_291, %mul3A_294 : i32
      %dma_wait3A_296 = tpu.memref_slice %arg2[%mul3A_293, %mul3A_295] : memref<2080x16384xf32, #tpu.memory_space<hbm>> -> memref<104x128xf32, #tpu.memory_space<hbm>>
      %dma_wait3A_297 = tpu.memref_slice %arg2[%mul3A_293, %mul3A_295] : memref<2080x16384xf32, #tpu.memory_space<hbm>> -> memref<104x128xf32, #tpu.memory_space<hbm>>
      tpu.wait_dma2 semaphore(%arg17 : memref<!tpu.dma_semaphore, #tpu.memory_space<semaphore_mem>>) src(%dma_wait3A_297 : memref<104x128xf32, #tpu.memory_space<hbm>>) dst(%arg7 : memref<104x128xf32, #tpu.memory_space<vmem>>)
      %gt3A_298 = arith.constant 0 : i32
      %gt3A_299 = arith.cmpi sgt, %scan3A_137, %gt3A_298 : i32
      %convert_element_type3A_300 = arith.extui %gt3A_299 : i1 to i32
      %cond3A_301 = arith.constant 0 : i32
      %cond3A_302 = arith.cmpi ne, %convert_element_type3A_300, %cond3A_301 : i32
      scf.if %cond3A_302 {
        %sub3A_378 = arith.constant 1 : i32
        %sub3A_379 = arith.subi %mul3A_139, %sub3A_378 : i32
        %jit3A_380 = arith.constant 20 : i32
        %eq3A_381 = arith.constant 0 : i32
        %eq3A_382 = arith.cmpi eq, %jit3A_380, %eq3A_381 : i32
        %jit3A_383 = arith.constant 1 : i32
        %select_n3A_384 = arith.select %eq3A_382, %jit3A_383, %jit3A_380 : i32
        %rem3A_385 = arith.remsi %sub3A_379, %select_n3A_384 : i32
        %ne3A_386 = arith.constant 0 : i32
        %ne3A_387 = arith.cmpi ne, %rem3A_385, %ne3A_386 : i32
        %lt3A_388 = arith.constant 0 : i32
        %lt3A_389 = arith.cmpi slt, %rem3A_385, %lt3A_388 : i32
        %lt3A_390 = arith.constant 0 : i32
        %lt3A_391 = arith.cmpi slt, %select_n3A_384, %lt3A_390 : i32
        %ne3A_392 = arith.xori %lt3A_389, %lt3A_391 : i1
        %and3A_393 = arith.andi %ne3A_392, %ne3A_387 : i1
        %add3A_394 = arith.addi %rem3A_385, %select_n3A_384 : i32
        %select_n3A_395 = arith.select %and3A_393, %add3A_394, %rem3A_385 : i32
        %jit3A_396 = arith.constant 20 : i32
        %div3A_397 = arith.divsi %sub3A_379, %jit3A_396 : i32
        %sign3A_398 = arith.constant 0 : i32
        %sign3A_399 = arith.cmpi sgt, %sub3A_379, %sign3A_398 : i32
        %sign3A_400 = arith.extui %sign3A_399 : i1 to i32
        %sign3A_401 = arith.constant 0 : i32
        %sign3A_402 = arith.cmpi slt, %sub3A_379, %sign3A_401 : i32
        %sign3A_403 = arith.extui %sign3A_402 : i1 to i32
        %sign3A_404 = arith.subi %sign3A_400, %sign3A_403 : i32
        %sign3A_405 = arith.constant 0 : i32
        %sign3A_406 = arith.cmpi sgt, %jit3A_396, %sign3A_405 : i32
        %sign3A_407 = arith.extui %sign3A_406 : i1 to i32
        %sign3A_408 = arith.constant 0 : i32
        %sign3A_409 = arith.cmpi slt, %jit3A_396, %sign3A_408 : i32
        %sign3A_410 = arith.extui %sign3A_409 : i1 to i32
        %sign3A_411 = arith.subi %sign3A_407, %sign3A_410 : i32
        %ne3A_412 = arith.cmpi ne, %sign3A_404, %sign3A_411 : i32
        %rem3A_413 = arith.remsi %sub3A_379, %jit3A_396 : i32
        %ne3A_414 = arith.constant 0 : i32
        %ne3A_415 = arith.cmpi ne, %rem3A_413, %ne3A_414 : i32
        %and3A_416 = arith.andi %ne3A_412, %ne3A_415 : i1
        %sub3A_417 = arith.constant 1 : i32
        %sub3A_418 = arith.subi %div3A_397, %sub3A_417 : i32
        %select_n3A_419 = arith.select %and3A_416, %sub3A_418, %div3A_397 : i32
        %add3A_420 = arith.addi %mul3A_2, %select_n3A_419 : i32
        %mul3A_421 = arith.constant 104 : i32
        %mul3A_422 = arith.muli %select_n3A_395, %mul3A_421 : i32
        %mul3A_423 = arith.constant 128 : i32
        %mul3A_424 = arith.muli %add3A_420, %mul3A_423 : i32
        %dma_wait3A_425 = tpu.memref_slice %arg5[%mul3A_422, %mul3A_424] : memref<2080x16384xf32, #tpu.memory_space<hbm>> -> memref<104x128xf32, #tpu.memory_space<hbm>>
        %dma_wait3A_426 = tpu.memref_slice %arg5[%mul3A_422, %mul3A_424] : memref<2080x16384xf32, #tpu.memory_space<hbm>> -> memref<104x128xf32, #tpu.memory_space<hbm>>
        tpu.wait_dma2 semaphore(%arg19 : memref<!tpu.dma_semaphore, #tpu.memory_space<semaphore_mem>>) src(%arg9 : memref<104x128xf32, #tpu.memory_space<vmem>>) dst(%dma_wait3A_426 : memref<104x128xf32, #tpu.memory_space<hbm>>)
      } else {
      }
      %add3A_303 = arith.constant 1 : i32
      %add3A_304 = arith.addi %mul3A_139, %add3A_303 : i32
      %jit3A_305 = arith.constant 20 : i32
      %eq3A_306 = arith.constant 0 : i32
      %eq3A_307 = arith.cmpi eq, %jit3A_305, %eq3A_306 : i32
      %jit3A_308 = arith.constant 1 : i32
      %select_n3A_309 = arith.select %eq3A_307, %jit3A_308, %jit3A_305 : i32
      %rem3A_310 = arith.remsi %add3A_304, %select_n3A_309 : i32
      %ne3A_311 = arith.constant 0 : i32
      %ne3A_312 = arith.cmpi ne, %rem3A_310, %ne3A_311 : i32
      %lt3A_313 = arith.constant 0 : i32
      %lt3A_314 = arith.cmpi slt, %rem3A_310, %lt3A_313 : i32
      %lt3A_315 = arith.constant 0 : i32
      %lt3A_316 = arith.cmpi slt, %select_n3A_309, %lt3A_315 : i32
      %ne3A_317 = arith.xori %lt3A_314, %lt3A_316 : i1
      %and3A_318 = arith.andi %ne3A_317, %ne3A_312 : i1
      %add3A_319 = arith.addi %rem3A_310, %select_n3A_309 : i32
      %select_n3A_320 = arith.select %and3A_318, %add3A_319, %rem3A_310 : i32
      %parallel_loop3A_321 = arith.constant 0 : i32
      %parallel_loop3A_322 = arith.constant 104 : i32
      %parallel_loop3A_323 = arith.constant 1 : i32
      scf.for %parallel_loop3A_378 = %parallel_loop3A_321 to %parallel_loop3A_322 step %parallel_loop3A_323  : i32 {
        %parallel_loop3A_379 = arith.index_cast %parallel_loop3A_378 : i32 to index
        %parallel_loop3A_380 = arith.constant 0 : index
        %parallel_loop3A_381 = tpu.vector_load %arg7[%parallel_loop3A_379, %parallel_loop3A_380] {strides = array<i32>} : memref<104x128xf32, #tpu.memory_space<vmem>>, vector<16xf32>,
        %parallel_loop3A_382 = arith.index_cast %parallel_loop3A_378 : i32 to index
        %parallel_loop3A_383 = arith.constant 0 : index
        %parallel_loop3A_384 = tpu.vector_load %arg9[%parallel_loop3A_382, %parallel_loop3A_383] {strides = array<i32>} : memref<104x128xf32, #tpu.memory_space<vmem>>, vector<16xf32>,
        tpu.vector_store %arg9[%parallel_loop3A_382, %parallel_loop3A_383], %parallel_loop3A_381 {strides = array<i32>} : memref<104x128xf32, #tpu.memory_space<vmem>>, vector<16xf32>,
        %parallel_loop3A_385 = arith.index_cast %parallel_loop3A_378 : i32 to index
        %parallel_loop3A_386 = arith.constant 16 : index
        %parallel_loop3A_387 = tpu.vector_load %arg7[%parallel_loop3A_385, %parallel_loop3A_386] {strides = array<i32>} : memref<104x128xf32, #tpu.memory_space<vmem>>, vector<16xf32>,
        %parallel_loop3A_388 = arith.index_cast %parallel_loop3A_378 : i32 to index
        %parallel_loop3A_389 = arith.constant 16 : index
        %parallel_loop3A_390 = tpu.vector_load %arg9[%parallel_loop3A_388, %parallel_loop3A_389] {strides = array<i32>} : memref<104x128xf32, #tpu.memory_space<vmem>>, vector<16xf32>,
        tpu.vector_store %arg9[%parallel_loop3A_388, %parallel_loop3A_389], %parallel_loop3A_387 {strides = array<i32>} : memref<104x128xf32, #tpu.memory_space<vmem>>, vector<16xf32>,
        %parallel_loop3A_391 = arith.index_cast %parallel_loop3A_378 : i32 to index
        %parallel_loop3A_392 = arith.constant 32 : index
        %parallel_loop3A_393 = tpu.vector_load %arg7[%parallel_loop3A_391, %parallel_loop3A_392] {strides = array<i32>} : memref<104x128xf32, #tpu.memory_space<vmem>>, vector<16xf32>,
        %parallel_loop3A_394 = arith.index_cast %parallel_loop3A_378 : i32 to index
        %parallel_loop3A_395 = arith.constant 32 : index
        %parallel_loop3A_396 = tpu.vector_load %arg9[%parallel_loop3A_394, %parallel_loop3A_395] {strides = array<i32>} : memref<104x128xf32, #tpu.memory_space<vmem>>, vector<16xf32>,
        tpu.vector_store %arg9[%parallel_loop3A_394, %parallel_loop3A_395], %parallel_loop3A_393 {strides = array<i32>} : memref<104x128xf32, #tpu.memory_space<vmem>>, vector<16xf32>,
        %parallel_loop3A_397 = arith.index_cast %parallel_loop3A_378 : i32 to index
        %parallel_loop3A_398 = arith.constant 48 : index
        %parallel_loop3A_399 = tpu.vector_load %arg7[%parallel_loop3A_397, %parallel_loop3A_398] {strides = array<i32>} : memref<104x128xf32, #tpu.memory_space<vmem>>, vector<16xf32>,
        %parallel_loop3A_400 = arith.index_cast %parallel_loop3A_378 : i32 to index
        %parallel_loop3A_401 = arith.constant 48 : index
        %parallel_loop3A_402 = tpu.vector_load %arg9[%parallel_loop3A_400, %parallel_loop3A_401] {strides = array<i32>} : memref<104x128xf32, #tpu.memory_space<vmem>>, vector<16xf32>,
        tpu.vector_store %arg9[%parallel_loop3A_400, %parallel_loop3A_401], %parallel_loop3A_399 {strides = array<i32>} : memref<104x128xf32, #tpu.memory_space<vmem>>, vector<16xf32>,
        %parallel_loop3A_403 = arith.index_cast %parallel_loop3A_378 : i32 to index
        %parallel_loop3A_404 = arith.constant 64 : index
        %parallel_loop3A_405 = tpu.vector_load %arg7[%parallel_loop3A_403, %parallel_loop3A_404] {strides = array<i32>} : memref<104x128xf32, #tpu.memory_space<vmem>>, vector<16xf32>,
        %parallel_loop3A_406 = arith.index_cast %parallel_loop3A_378 : i32 to index
        %parallel_loop3A_407 = arith.constant 64 : index
        %parallel_loop3A_408 = tpu.vector_load %arg9[%parallel_loop3A_406, %parallel_loop3A_407] {strides = array<i32>} : memref<104x128xf32, #tpu.memory_space<vmem>>, vector<16xf32>,
        tpu.vector_store %arg9[%parallel_loop3A_406, %parallel_loop3A_407], %parallel_loop3A_405 {strides = array<i32>} : memref<104x128xf32, #tpu.memory_space<vmem>>, vector<16xf32>,
        %parallel_loop3A_409 = arith.index_cast %parallel_loop3A_378 : i32 to index
        %parallel_loop3A_410 = arith.constant 80 : index
        %parallel_loop3A_411 = tpu.vector_load %arg7[%parallel_loop3A_409, %parallel_loop3A_410] {strides = array<i32>} : memref<104x128xf32, #tpu.memory_space<vmem>>, vector<16xf32>,
        %parallel_loop3A_412 = arith.index_cast %parallel_loop3A_378 : i32 to index
        %parallel_loop3A_413 = arith.constant 80 : index
        %parallel_loop3A_414 = tpu.vector_load %arg9[%parallel_loop3A_412, %parallel_loop3A_413] {strides = array<i32>} : memref<104x128xf32, #tpu.memory_space<vmem>>, vector<16xf32>,
        tpu.vector_store %arg9[%parallel_loop3A_412, %parallel_loop3A_413], %parallel_loop3A_411 {strides = array<i32>} : memref<104x128xf32, #tpu.memory_space<vmem>>, vector<16xf32>,
        %parallel_loop3A_415 = arith.index_cast %parallel_loop3A_378 : i32 to index
        %parallel_loop3A_416 = arith.constant 96 : index
        %parallel_loop3A_417 = tpu.vector_load %arg7[%parallel_loop3A_415, %parallel_loop3A_416] {strides = array<i32>} : memref<104x128xf32, #tpu.memory_space<vmem>>, vector<16xf32>,
        %parallel_loop3A_418 = arith.index_cast %parallel_loop3A_378 : i32 to index
        %parallel_loop3A_419 = arith.constant 96 : index
        %parallel_loop3A_420 = tpu.vector_load %arg9[%parallel_loop3A_418, %parallel_loop3A_419] {strides = array<i32>} : memref<104x128xf32, #tpu.memory_space<vmem>>, vector<16xf32>,
        tpu.vector_store %arg9[%parallel_loop3A_418, %parallel_loop3A_419], %parallel_loop3A_417 {strides = array<i32>} : memref<104x128xf32, #tpu.memory_space<vmem>>, vector<16xf32>,
        %parallel_loop3A_421 = arith.index_cast %parallel_loop3A_378 : i32 to index
        %parallel_loop3A_422 = arith.constant 112 : index
        %parallel_loop3A_423 = tpu.vector_load %arg7[%parallel_loop3A_421, %parallel_loop3A_422] {strides = array<i32>} : memref<104x128xf32, #tpu.memory_space<vmem>>, vector<16xf32>,
        %parallel_loop3A_424 = arith.index_cast %parallel_loop3A_378 : i32 to index
        %parallel_loop3A_425 = arith.constant 112 : index
        %parallel_loop3A_426 = tpu.vector_load %arg9[%parallel_loop3A_424, %parallel_loop3A_425] {strides = array<i32>} : memref<104x128xf32, #tpu.memory_space<vmem>>, vector<16xf32>,
        tpu.vector_store %arg9[%parallel_loop3A_424, %parallel_loop3A_425], %parallel_loop3A_423 {strides = array<i32>} : memref<104x128xf32, #tpu.memory_space<vmem>>, vector<16xf32>,
      } {sc.loop_unroll_factor = 2 : i64, sc.parallel_access}
      %add3A_324 = arith.constant 1 : i32
      %add3A_325 = arith.addi %mul3A_139, %add3A_324 : i32
      %jit3A_326 = arith.constant 20 : i32
      %eq3A_327 = arith.constant 0 : i32
      %eq3A_328 = arith.cmpi eq, %jit3A_326, %eq3A_327 : i32
      %jit3A_329 = arith.constant 1 : i32
      %select_n3A_330 = arith.select %eq3A_328, %jit3A_329, %jit3A_326 : i32
      %rem3A_331 = arith.remsi %add3A_325, %select_n3A_330 : i32
      %ne3A_332 = arith.constant 0 : i32
      %ne3A_333 = arith.cmpi ne, %rem3A_331, %ne3A_332 : i32
      %lt3A_334 = arith.constant 0 : i32
      %lt3A_335 = arith.cmpi slt, %rem3A_331, %lt3A_334 : i32
      %lt3A_336 = arith.constant 0 : i32
      %lt3A_337 = arith.cmpi slt, %select_n3A_330, %lt3A_336 : i32
      %ne3A_338 = arith.xori %lt3A_335, %lt3A_337 : i1
      %and3A_339 = arith.andi %ne3A_338, %ne3A_333 : i1
      %add3A_340 = arith.addi %rem3A_331, %select_n3A_330 : i32
      %select_n3A_341 = arith.select %and3A_339, %add3A_340, %rem3A_331 : i32
      %jit3A_342 = arith.constant 20 : i32
      %div3A_343 = arith.divsi %add3A_325, %jit3A_342 : i32
      %sign3A_344 = arith.constant 0 : i32
      %sign3A_345 = arith.cmpi sgt, %add3A_325, %sign3A_344 : i32
      %sign3A_346 = arith.extui %sign3A_345 : i1 to i32
      %sign3A_347 = arith.constant 0 : i32
      %sign3A_348 = arith.cmpi slt, %add3A_325, %sign3A_347 : i32
      %sign3A_349 = arith.extui %sign3A_348 : i1 to i32
      %sign3A_350 = arith.subi %sign3A_346, %sign3A_349 : i32
      %sign3A_351 = arith.constant 0 : i32
      %sign3A_352 = arith.cmpi sgt, %jit3A_342, %sign3A_351 : i32
      %sign3A_353 = arith.extui %sign3A_352 : i1 to i32
      %sign3A_354 = arith.constant 0 : i32
      %sign3A_355 = arith.cmpi slt, %jit3A_342, %sign3A_354 : i32
      %sign3A_356 = arith.extui %sign3A_355 : i1 to i32
      %sign3A_357 = arith.subi %sign3A_353, %sign3A_356 : i32
      %ne3A_358 = arith.cmpi ne, %sign3A_350, %sign3A_357 : i32
      %rem3A_359 = arith.remsi %add3A_325, %jit3A_342 : i32
      %ne3A_360 = arith.constant 0 : i32
      %ne3A_361 = arith.cmpi ne, %rem3A_359, %ne3A_360 : i32
      %and3A_362 = arith.andi %ne3A_358, %ne3A_361 : i1
      %sub3A_363 = arith.constant 1 : i32
      %sub3A_364 = arith.subi %div3A_343, %sub3A_363 : i32
      %select_n3A_365 = arith.select %and3A_362, %sub3A_364, %div3A_343 : i32
      %add3A_366 = arith.addi %mul3A_2, %select_n3A_365 : i32
      %mul3A_367 = arith.constant 104 : i32
      %mul3A_368 = arith.muli %select_n3A_341, %mul3A_367 : i32
      %mul3A_369 = arith.constant 128 : i32
      %mul3A_370 = arith.muli %add3A_366, %mul3A_369 : i32
      %dma_start3A_371 = tpu.memref_slice %arg5[%mul3A_368, %mul3A_370] : memref<2080x16384xf32, #tpu.memory_space<hbm>> -> memref<104x128xf32, #tpu.memory_space<hbm>>
      %dma_start3A_372 = tpu.memref_slice %arg5[%mul3A_368, %mul3A_370] : memref<2080x16384xf32, #tpu.memory_space<hbm>> -> memref<104x128xf32, #tpu.memory_space<hbm>>
      tpu.enqueue_dma source(%arg9 : memref<104x128xf32, #tpu.memory_space<vmem>>) target(%dma_start3A_372 : memref<104x128xf32, #tpu.memory_space<hbm>>) target_semaphore(%arg19 : memref<!tpu.dma_semaphore, #tpu.memory_space<semaphore_mem>>)
      %lt3A_373 = arith.constant 39 : i32
      %lt3A_374 = arith.cmpi slt, %scan3A_137, %lt3A_373 : i32
      %convert_element_type3A_375 = arith.extui %lt3A_374 : i1 to i32
      %cond3A_376 = arith.constant 0 : i32
      %cond3A_377 = arith.cmpi ne, %convert_element_type3A_375, %cond3A_376 : i32
      scf.if %cond3A_377 {
        %add3A_378 = arith.constant 3 : i32
        %add3A_379 = arith.addi %mul3A_139, %add3A_378 : i32
        %jit3A_380 = arith.constant 20 : i32
        %eq3A_381 = arith.constant 0 : i32
        %eq3A_382 = arith.cmpi eq, %jit3A_380, %eq3A_381 : i32
        %jit3A_383 = arith.constant 1 : i32
        %select_n3A_384 = arith.select %eq3A_382, %jit3A_383, %jit3A_380 : i32
        %rem3A_385 = arith.remsi %add3A_379, %select_n3A_384 : i32
        %ne3A_386 = arith.constant 0 : i32
        %ne3A_387 = arith.cmpi ne, %rem3A_385, %ne3A_386 : i32
        %lt3A_388 = arith.constant 0 : i32
        %lt3A_389 = arith.cmpi slt, %rem3A_385, %lt3A_388 : i32
        %lt3A_390 = arith.constant 0 : i32
        %lt3A_391 = arith.cmpi slt, %select_n3A_384, %lt3A_390 : i32
        %ne3A_392 = arith.xori %lt3A_389, %lt3A_391 : i1
        %and3A_393 = arith.andi %ne3A_392, %ne3A_387 : i1
        %add3A_394 = arith.addi %rem3A_385, %select_n3A_384 : i32
        %select_n3A_395 = arith.select %and3A_393, %add3A_394, %rem3A_385 : i32
        %jit3A_396 = arith.constant 20 : i32
        %div3A_397 = arith.divsi %add3A_379, %jit3A_396 : i32
        %sign3A_398 = arith.constant 0 : i32
        %sign3A_399 = arith.cmpi sgt, %add3A_379, %sign3A_398 : i32
        %sign3A_400 = arith.extui %sign3A_399 : i1 to i32
        %sign3A_401 = arith.constant 0 : i32
        %sign3A_402 = arith.cmpi slt, %add3A_379, %sign3A_401 : i32
        %sign3A_403 = arith.extui %sign3A_402 : i1 to i32
        %sign3A_404 = arith.subi %sign3A_400, %sign3A_403 : i32
        %sign3A_405 = arith.constant 0 : i32
        %sign3A_406 = arith.cmpi sgt, %jit3A_396, %sign3A_405 : i32
        %sign3A_407 = arith.extui %sign3A_406 : i1 to i32
        %sign3A_408 = arith.constant 0 : i32
        %sign3A_409 = arith.cmpi slt, %jit3A_396, %sign3A_408 : i32
        %sign3A_410 = arith.extui %sign3A_409 : i1 to i32
        %sign3A_411 = arith.subi %sign3A_407, %sign3A_410 : i32
        %ne3A_412 = arith.cmpi ne, %sign3A_404, %sign3A_411 : i32
        %rem3A_413 = arith.remsi %add3A_379, %jit3A_396 : i32
        %ne3A_414 = arith.constant 0 : i32
        %ne3A_415 = arith.cmpi ne, %rem3A_413, %ne3A_414 : i32
        %and3A_416 = arith.andi %ne3A_412, %ne3A_415 : i1
        %sub3A_417 = arith.constant 1 : i32
        %sub3A_418 = arith.subi %div3A_397, %sub3A_417 : i32
        %select_n3A_419 = arith.select %and3A_416, %sub3A_418, %div3A_397 : i32
        %add3A_420 = arith.addi %mul3A_2, %select_n3A_419 : i32
        %mul3A_421 = arith.constant 104 : i32
        %mul3A_422 = arith.muli %select_n3A_395, %mul3A_421 : i32
        %mul3A_423 = arith.constant 128 : i32
        %mul3A_424 = arith.muli %add3A_420, %mul3A_423 : i32
        %dma_start3A_425 = tpu.memref_slice %arg2[%mul3A_422, %mul3A_424] : memref<2080x16384xf32, #tpu.memory_space<hbm>> -> memref<104x128xf32, #tpu.memory_space<hbm>>
        %dma_start3A_426 = tpu.memref_slice %arg2[%mul3A_422, %mul3A_424] : memref<2080x16384xf32, #tpu.memory_space<hbm>> -> memref<104x128xf32, #tpu.memory_space<hbm>>
        tpu.enqueue_dma source(%dma_start3A_426 : memref<104x128xf32, #tpu.memory_space<hbm>>) target(%arg7 : memref<104x128xf32, #tpu.memory_space<vmem>>) target_semaphore(%arg17 : memref<!tpu.dma_semaphore, #tpu.memory_space<semaphore_mem>>)
      } else {
      }
    }
    %scan3A_121 = arith.constant 40 : i32
    %add3A_122 = arith.constant 3 : i32
    %add3A_123 = arith.addi %mul3A_2, %add3A_122 : i32
    %mul3A_124 = arith.constant 128 : i32
    %mul3A_125 = arith.muli %add3A_123, %mul3A_124 : i32
    %dma_wait3A = arith.constant 1872 : i32
    %dma_wait3A_126 = tpu.memref_slice %arg5[%dma_wait3A, %mul3A_125] : memref<2080x16384xf32, #tpu.memory_space<hbm>> -> memref<104x128xf32, #tpu.memory_space<hbm>>
    %dma_wait3A_127 = arith.constant 1872 : i32
    %dma_wait3A_128 = tpu.memref_slice %arg5[%dma_wait3A_127, %mul3A_125] : memref<2080x16384xf32, #tpu.memory_space<hbm>> -> memref<104x128xf32, #tpu.memory_space<hbm>>
    tpu.wait_dma2 semaphore(%arg18 : memref<!tpu.dma_semaphore, #tpu.memory_space<semaphore_mem>>) src(%arg8 : memref<104x128xf32, #tpu.memory_space<vmem>>) dst(%dma_wait3A_128 : memref<104x128xf32, #tpu.memory_space<hbm>>)
    %add3A_129 = arith.constant 3 : i32
    %add3A_130 = arith.addi %mul3A_2, %add3A_129 : i32
    %mul3A_131 = arith.constant 128 : i32
    %mul3A_132 = arith.muli %add3A_130, %mul3A_131 : i32
    %dma_wait3A_133 = arith.constant 1976 : i32
    %dma_wait3A_134 = tpu.memref_slice %arg5[%dma_wait3A_133, %mul3A_132] : memref<2080x16384xf32, #tpu.memory_space<hbm>> -> memref<104x128xf32, #tpu.memory_space<hbm>>
    %dma_wait3A_135 = arith.constant 1976 : i32
    %dma_wait3A_136 = tpu.memref_slice %arg5[%dma_wait3A_135, %mul3A_132] : memref<2080x16384xf32, #tpu.memory_space<hbm>> -> memref<104x128xf32, #tpu.memory_space<hbm>>
    tpu.wait_dma2 semaphore(%arg19 : memref<!tpu.dma_semaphore, #tpu.memory_space<semaphore_mem>>) src(%arg9 : memref<104x128xf32, #tpu.memory_space<vmem>>) dst(%dma_wait3A_136 : memref<104x128xf32, #tpu.memory_space<hbm>>)
    return
  }
}

</mosaic_0001>

<sc_bundles>
// kernel: kernel.3.cloned.1.call-start
scs
__scs_entry_jumppad:
0x0: {  	(pc) =	sbr.rel $0x88, $3  }
0x1: {  	(tag) =	ssettag $0x0;
	lr =	simm.s32 $0x1  }
0x2: {  	[smem:$0x3F9E] =	sst lr;
	_ =	strace $0xD0000000  }
0x3: {  	_ = 	snop  }
0x4: {  	_ = 	snop  }
0x5: {  	_ = 	snop  }
0x6: {  	_ = 	snop  }
0x7: {  	_ = 	snop  }
__scs_overlays_trampoline_lowered:
0x8: {  	[smem:$0x3FAD] =	sst s0  }
0x9: {  	[smem:$0x3FAE] =	sst s1  }
0xa: {  	[smem:$0x3FAF] =	sst s2  }
0xb: {  	[smem:$0x3FB0] =	sst s3  }
0xc: {  	[smem:$0x3FB1] =	sst s4  }
0xd: {  	[smem:$0x3FB2] =	sst s5  }
0xe: {  	[smem:$0x3FB3] =	sst s6  }
0xf: {  	[smem:$0x3FB4] =	sst s7  }
0x10: {  	[smem:$0x3FB5] =	sst s8  }
0x11: {  	[smem:$0x3FB6] =	sst s9;
	s0 =	simm.s32 @!p0 $0x0  }
0x12: {  	s1 =	sld [smem:$0x3F9C];
	s0 =	simm.s32 @p0 $0x1  }
0x13: {  	[smem:$0x3FB7] =	sst s0;
	s0 =	simm.s32 @!p1 $0x0  }
0x14: {  	s2 =	sld [smem:$0x3F9B];
	s0 =	simm.s32 @p1 $0x1  }
0x15: {  	[smem:$0x3FB8] =	sst s0;
	s0 =	simm.s32 @!p2 $0x0  }
0x16: {  	s3 =	sld [smem:$0x3FDB];
	s0 =	simm.s32 @p2 $0x1  }
0x17: {  	s4 =	simm.s32 $0x1BF5;
	[smem:$0x3FBA] =	sst s0  }
0x18: {  	s0 =	sld [smem:$0x3F9D];
	_ =	swait.ge [sflag:s4], $0x0  }
0x19: {  	s7 =	sld [smem:$0x3F9E]  }
0x1a: {  	s8 =	sadd.s32 $0xFFFFE003, lr  }
0x1b: {  	s9 =	sadd.s32 $0xFFFFFEF7, lr;
	s5 =	simm.s32 $0xFFFFFFFF;
	p2 =	slt.u32 s8, $0xFFFFF086  }
0x1c: {  	p1 =	slt.u32 s9, $0xF7A;
	s5 =	simm.s32 @!p2 $0x0  }
0x1d: {  	s5 =	simm.s32 @p1 $0x1;
	p0 =	seq.s32 s7, s2  }
0x1e: {  	s7 =	smul.u32 @!p0 $0xF7A, s2;
	p2 =	seq.s32 @!p0 s5, $0x0  }
0x1f: {  	s9 =	smul.u32 $0xF7A, s1;
	s8 =	simm.s32 @!p0 $0x1BF5;
	p2 =	por !p2, p0  }
0x20: {  	[sflag:s8] =	ssyncset.s32 @!p0 $0xFFFFF086;
	s6 =	sadd.s32 @!p0 s3, s7;
	s7 =	simm.s32 @!p0 $0x108  }
0x21: {  	s3 =	sadd.s32 s3, s9;
	s6 =	sadd.s32 @!p0 $0x88, s6;
	s7 =	simm.s32 @p2 $0x1082  }
0x22: {  	[simem:s7], [sflag:s8] =	dma.local @!p0 [hbm:s6], $0xF7A  }
0x23: {  	s9 =	sor.u32 $0xD0000000, s2;
	s6 =	simm.s32 $0x108;
	_ =	swait.ge @!p0 [sflag:s8], $0x0  }
0x24: {  	s3 =	sadd.s32 $0x88, s3;
	s6 =	simm.s32 @!p1 $0x1082;
	[sflag:s4] =	ssyncset.s32 $0xFFFFF086  }
0x25: {  	[simem:s6], [sflag:s4] =	dma.local [hbm:s3], $0xF7A  }
0x26: {  	[smem:$0x3F9E] =	sst s1;
	(tag) =	ssettag s2;
	_ =	strace s9  }
0x27: {  	s1 =	sld [smem:$0x3FAE]  }
0x28: {  	s2 =	sld [smem:$0x3FAF]  }
0x29: {  	s4 =	sld [smem:$0x3FB1]  }
0x2a: {  	p0 =	seq.s32 s5, $0x0;
	s5 =	sld [smem:$0x3FB2]  }
0x2b: {  	s6 =	sld [smem:$0x3FB3]  }
0x2c: {  	s7 =	sld [smem:$0x3FB4]  }
0x2d: {  	s3 =	simm.s32 $0x108;
	s8 =	sld [smem:$0x3FB5]  }
0x2e: {  	s3 =	simm.s32 @!p0 $0x1082;
	s9 =	sld [smem:$0x3FB6]  }
0x2f: {  	lr =	sadd.s32 s0, s3;
	s0 =	sld [smem:$0x3FAD]  }
0x30: {  	s3 =	sld [smem:$0x3FB0]  }
0x31: {  	[smem:$0x3FB9] =	sst s10  }
0x32: {  	s10 =	sld [smem:$0x3FB7];
	_ =	sdelay $0x3  }
0x33: {  	p0 =	seq.s32 s10, $0x1;
	s10 =	sld [smem:$0x3FB9];
	_ =	sdelay $0x3  }
0x34: {  	[smem:$0x3FB9] =	sst s10  }
0x35: {  	s10 =	sld [smem:$0x3FB8];
	_ =	sdelay $0x3  }
0x36: {  	p1 =	seq.s32 s10, $0x1;
	s10 =	sld [smem:$0x3FB9];
	_ =	sdelay $0x3  }
0x37: {  	[smem:$0x3FB9] =	sst s10  }
0x38: {  	s10 =	sld [smem:$0x3FBA]  }
0x39: {  	_ = 	snop;
	(pc) =	sbr.ind lr, $3  }
0x3a: {  	_ = 	snop  }
0x3b: {  	_ = 	snop  }
0x3c: {  	p2 =	seq.s32 s10, $0x1;
	s10 =	sld [smem:$0x3FB9]  }
0x3d: {  	_ =	shalt  }
0x3e: {  	_ =	shalt  }
0x3f: {  	_ =	shalt  }
0x40: {  	_ =	shalt  }
0x41: {  	_ =	shalt  }
0x42: {  	_ =	shalt  }
0x43: {  	_ =	shalt  }
0x44: {  	_ =	shalt  }
0x45: {  	_ =	shalt  }
0x46: {  	_ =	shalt  }
0x47: {  	_ =	shalt  }
0x48: {  	_ =	shalt  }
0x49: {  	_ =	shalt  }
0x4a: {  	_ =	shalt  }
0x4b: {  	_ =	shalt  }
0x4c: {  	_ =	shalt  }
0x4d: {  	_ =	shalt  }
0x4e: {  	_ =	shalt  }
0x4f: {  	_ =	shalt  }
0x50: {  	_ =	shalt  }
0x51: {  	_ =	shalt  }
0x52: {  	_ =	shalt  }
0x53: {  	_ =	shalt  }
0x54: {  	_ =	shalt  }
0x55: {  	_ =	shalt  }
0x56: {  	_ =	shalt  }
0x57: {  	_ =	shalt  }
0x58: {  	_ =	shalt  }
0x59: {  	_ =	shalt  }
0x5a: {  	_ =	shalt  }
0x5b: {  	_ =	shalt  }
0x5c: {  	_ =	shalt  }
0x5d: {  	_ =	shalt  }
0x5e: {  	_ =	shalt  }
0x5f: {  	_ =	shalt  }
0x60: {  	_ =	shalt  }
0x61: {  	_ =	shalt  }
0x62: {  	_ =	shalt  }
0x63: {  	_ =	shalt  }
0x64: {  	_ =	shalt  }
0x65: {  	_ =	shalt  }
0x66: {  	_ =	shalt  }
0x67: {  	_ =	shalt  }
0x68: {  	_ =	shalt  }
0x69: {  	_ =	shalt  }
0x6a: {  	_ =	shalt  }
0x6b: {  	_ =	shalt  }
0x6c: {  	_ =	shalt  }
0x6d: {  	_ =	shalt  }
0x6e: {  	_ =	shalt  }
0x6f: {  	_ =	shalt  }
0x70: {  	_ =	shalt  }
0x71: {  	_ =	shalt  }
0x72: {  	_ =	shalt  }
0x73: {  	_ =	shalt  }
0x74: {  	_ =	shalt  }
0x75: {  	_ =	shalt  }
0x76: {  	_ =	shalt  }
0x77: {  	_ =	shalt  }
0x78: {  	_ =	shalt  }
0x79: {  	_ =	shalt  }
0x7a: {  	_ =	shalt  }
0x7b: {  	_ =	shalt  }
0x7c: {  	_ =	shalt  }
0x7d: {  	_ =	shalt  }
0x7e: {  	_ =	shalt  }
0x7f: {  	_ =	shalt  }
0x80: {  	_ =	shalt  }
0x81: {  	_ =	shalt  }
0x82: {  	_ =	shalt  }
0x83: {  	_ =	shalt  }
0x84: {  	_ =	shalt  }
0x85: {  	_ =	shalt  }
0x86: {  	_ =	shalt  }
0x87: {  	_ =	shalt  }
.Lfunc_end0:
.L_simem_size_0:
called_computation_lowered:
.L_overlay_start_0:
0x88: {  	s2 =	sld [smem:$0x3FD9]  }
0x89: {  	s3 =	sld [smem:$0x3FFE];
	_ =	sdelay $0x1  }
0x8a: {  	s1 =	srdreg.scid  }
0x8b: {  	s0 =	sand.u32 $0x1, s1  }
0x8c: {  	s17 =	sshll.u32 s0, $0xA;
	s2 =	sadd.s32 s3, s2  }
0x8d: {  	s2 =	sadd.s32 s2, s17  }
0x8e: {  	[smem:$0x3FC5] =	sst s2  }
0x8f: {  	_ = 	snop  }
0x90: {  	s2 =	sld [smem:$0x3FC9]  }
0x91: {  	s18 =	sld [smem:$0x3FD0];
	(tm) =	ssettm $0x1  }
0x92: {  	s4 =	sld [smem:$0x3FFB];
	_ =	sdelay $0x3  }
0x93: {  	_ =	strace s4  }
0x94: {  	s4 =	sld [smem:$0x3FFC];
	_ =	sdelay $0x3  }
0x95: {  	_ =	strace s4  }
0x96: {  	s4 =	sld [smem:$0x3FFD];
	_ =	sdelay $0x3  }
0x97: {  	_ =	strace s4  }
0x98: {  	_ =	strace $0x8FFFFFFF  }
0x99: {  	s19 =	sld [smem:$0x3FDB];
	_ =	sdelay $0x1  }
0x9a: {  	s5 =	simm.s32 $_scs_section_size  }
0x9b: {  	s6 =	simm.s32 $_size__tile_overlayer_lowered;
	s7 =	simm.s32 $_tile_overlayer_lowered  }
0x9c: {  	s22 =	simm.s32 $0x1BFF;
	s21 =	sshll.u32 s7, $0x1;
	s4 =	sadd.s32 s5, s19  }
0x9d: {  	s8 =	simm.s32 $0x0;
	s20 =	sshll.u32 s6, $0x1;
	s6 =	sadd.s32 s21, s4  }
0x9e: {  	[timem:s8], [sflag:s22] =	dma.local [hbm:s6], s20  }
0x9f: {  	_ =	swait.ge [sflag:s22], s20  }
0xa0: {  	s5 =	ssub.s32 $0x0, s20;
	[sflag:s22] =	ssyncset.done $0x0  }
0xa1: {  	[sflag:s22] =	ssyncadd.s32 s5;
	_ =	sdelay $0x1  }
0xa2: {  	s23 =	simm.s32 $0x1B8B  }
0xa3: {  	_ =	swait.ge [sflag:s23], $0x1  }
0xa4: {  	[sflag:s23] =	ssyncset.done $0x0  }
0xa5: {  	s25 =	simm.s32 $0x1B8E;
	s24 =	sld [smem:$0x3FFE];
	[sflag:s23] =	ssyncadd.s32 $0xFFFFFFFF  }
0xa6: {  	s26 =	simm.s32 $execute0_lowered;
	[smem:$0x3FD2] =	sst s25  }
0xa7: {  	s6 =	sshll.u32 s26, $0x1;
	_ =	strace $0x80000046;
	[dreg:$0x1] =	wrdreg $0xFFFFFFFF  }
0xa8: {  	s28 =	simm.s32 $_size_execute0_lowered;
	s4 =	sadd.s32 s4, s6;
	[dreg:$0x0] =	wrdreg $0x0  }
0xa9: {  	s6 =	sshll.u32 s28, $0x1;
	[dreg:$0x2] =	wrdreg s4  }
0xaa: {  	[dreg:$0x3] =	wrdreg s6  }
0xab: {  	[dreg:$0x4] =	wrdreg $0xC0  }
0xac: {  	_ =	task [dreg:s8], $0x5FFFF  }
0xad: {  	[dreg:$0x1] =	wrdreg $0xFFFFFFFF  }
0xae: {  	[dreg:$0x0] =	wrdreg $0x60  }
0xaf: {  	[dreg:$0x2] =	wrdreg s2  }
0xb0: {  	[dreg:$0x3] =	wrdreg s24  }
0xb1: {  	[dreg:$0x4] =	wrdreg s18  }
0xb2: {  	[dreg:$0x5] =	wrdreg $0x9  }
0xb3: {  	_ =	task.clear_ibuf [dreg:s8], $0x6FFFF;
	_ =	strace $0x90000046  }
0xb4: {  	s29 =	simm.s32 $0x9;
	_ =	strace $0x80000048  }
0xb5: {  	_ =	swait.ge [sflag:s29], $0x1  }
0xb6: {  	[sflag:s29] =	ssyncadd.s32 $0xFFFFFFFF  }
0xb7: {  	_ =	strace $0x90000048  }
0xb8: {  	_ =	sfence  }
0xb9: {  	s30 =	sld [smem:$0x0];
	_ =	sdelay $0x2  }
0xba: {  	s31 =	sshll.u32 s1, $0xD;
	s1 =	sshrl.u32 s1, $0x2  }
0xbb: {  	s3 =	sand.u32 $0x4000, s31;
	s1 =	sadd.s32 s1, s30  }
0xbc: {  	s0 =	sor.u32 s3, s0;
	s1 =	sshll.u32 s1, $0x11  }
0xbd: {  	s0 =	sor.u32 s1, s0  }
0xbe: {  	s0 =	sadd.s32 $0x8F2B, s0  }
0xbf: {  	[sflag:s0] =	ssyncadd.remote.s32 $0x1  }
0xc0: {  	_ =	sfence.sel $0xFFFF  }
0xc1: {  	[dreg:$0x0] =	wrdreg $0xFFFFFFFF;
	(pc) =	sbr.abs _section_cstart, $3  }
0xc2: {  	[dreg:$0x1] =	wrdreg $0xFFFFFFFF  }
0xc3: {  	_ =	task.clear_ibuf [dreg:s8], $0x2FFFF;
	_ =	strace $0x9FFFFFFF  }
0xc4: {  	(tm) =	ssettm $0x7FFFFFFF  }
0xc5: {  	_ =	shalt  }
tec
execute0_lowered:
.L_overlay_start_1:
0x0: {  	(tag) =	ssettag $0x1  }
0x1: {  	s1 =	rddreg [dreg:$0x0]  }
0x2: {  	s6 =	rddreg [dreg:$0x1]  }
0x3: {  	s4 =	rddreg [dreg:$0x2]  }
0x4: {  	s0 =	srdreg.scid;
	s2 =	stileid.u32  }
0x5: {  	s5 =	simm.s32 $0x0;
	s12 =	simm.s32 $0x5;
	s13 =	simm.s32 $0xEA00  }
0x6: {  	s14 =	simm.s32 $0xFB00;
	s15 =	simm.s32 $0x400;
	s16 =	simm.s32 $0x20000  }
0x7: {  	s17 =	simm.s32 $0x3400;
	s18 =	simm.s32 $0x1;
	s19 =	simm.s32 $0x6800  }
0x8: {  	s20 =	simm.s32 $0x2;
	s21 =	simm.s32 $0x9C00;
	s22 =	simm.s32 $0x3  }
0x9: {  	s23 =	simm.s32 $0x4;
	s24 =	simm.s32 $0x0;
	s0 =	sand.u32 $0x1, s0  }
.Ltmp0:
0xa: {  	s2 =	sshll.u32 s2, $0x1;
	[smem:$0x7FF] =	sst s5;
	(pc) =	sbr.rel .LBB2_1-.Ltmp0, $4  }
0xb: {  	s6 =	sadd.s32 $0x200, s6;
	s2 =	sor.u32 s0, s2;
	s0 =	ssub.s32 $0x2, s0  }
0xc: {  	_ =	strace $0x80000047;
	s3 =	sshll.u32 s2, $0x9;
	s31 =	sshrl.u32 s0, $0x1  }
0xd: {  	v0 =	vlaneseq.u32;
	[dreg:$0x4] =	wrdreg s6;
	s7 =	sadd.s32 s1, s3;
	s0 =	ssub.s32 s0, s31  }
0xe: {  	v1 =	vimm.s32 $0x0;
	v2 =	vimm.f32 $0.0e+00;
	v3 =	vimm.f32 $1.000000000e+00;
	s8 =	sshll.u32 s2, $0x2;
	s9 =	sadd.s32 $0x34000, s7;
	s10 =	smax.u32 s0, $0x1  }
.LBB2_12:
0xf: {  	s24 =	sadd.s32 $0x1, s24  }
0x10: {  	_ =	swait.ge [sflag:s22], $0x3400;
	p0 =	sne.s32 s24, s10  }
.Ltmp1:
0x11: {  	[sflag:s22] =	ssyncset.done $0x0;
	(pc) =	sbr.rel @!p0 .LBB2_13-.Ltmp1, $4  }
0x12: {  	[sflag:s22] =	ssyncadd.s32 $0xFFFFCC00  }
0x13: {  	_ =	swait.ge [sflag:s23], $0x3400  }
0x14: {  	[sflag:s23] =	ssyncset.done $0x0  }
0x15: {  	[sflag:s23] =	ssyncadd.s32 $0xFFFFCC00  }
.LBB2_1:
0x16: {  	s0 =	rddreg [dreg:$0x1];
	s2 =	simm.s32 $0xD900  }
0x17: {  	[tilespmem:s2], [sflag:$0x5] =	stream.linear.gather [hbm4b:s0+s5], $0x880, $0x38;
	[tilespmem:$0xFC80] =	vst v63  }
0x18: {  	_ =	swait.ge [sflag:s12], $0x880  }
0x19: {  	[sflag:s12] =	ssyncset.done $0x0  }
0x1a: {  	s0 =	simm.s32 $0xE180;
	s31 =	rddreg [dreg:$0x4];
	[sflag:s12] =	ssyncadd.s32 $0xFFFFF780  }
0x1b: {  	[tilespmem:s0], [sflag:$0x5] =	stream.linear.gather [hbm4b:s31+s5], $0x880, $0x38;
	[tilespmem:$0xFC80] =	vst v63  }
0x1c: {  	_ =	swait.ge [sflag:s12], $0x880  }
0x1d: {  	[sflag:s12] =	ssyncset.done $0x0  }
0x1e: {  	[sflag:s12] =	ssyncadd.s32 $0xFFFFF780  }
0x1f: {  	v4 =	vld [tilespmem:s0+$0x0];
	_ =	sdelay $0x3  }
0x20: {  	v5 =	vor.u32 s5, v0  }
0x21: {  	vm0 =	veq.s32 v4, v5  }
0x22: {  	v4 =	vsel vm0, $0x1, v1  }
0x23: {  	(xrf0) =	vadd.scan.msk.s32 $0xffff, v4;
	_ =	sdelay $0x5  }
0x24: {  	v4, _, _ =	vpop (xrf0)  }
0x25: {  	v4 =	vadd.s32 s5, v4  }
0x26: {  	(v2sf) =	vpush v4, $0xF  }
0x27: {  	s3 =	simm.s32 $0xE190;
	[tilespmem:s13+$0x0] =	vst v4  }
0x28: {  	s6 =	simm.s32 $0x10;
	s11 =	simm.s32 $0x20;
	s2 =	simm.s32 $0xEA00;
	v4 =	vld [tilespmem:s3+$0x0]  }
.LBB2_2:
0x29: {  	p0 =	sne.s32 s11, $0x810;
	_ =	sdelay $0x2  }
0x2a: {  	v5 =	vor.u32 s6, v0;
	s6 =	smov.u32 s11  }
0x2b: {  	vm0 =	veq.s32 v4, v5  }
0x2c: {  	v4 =	vsel vm0, $0x1, v1  }
0x2d: {  	(xrf0) =	vadd.scan.msk.s32 $0xffff, v4;
	_ =	sdelay $0x5  }
.Ltmp2:
0x2e: {  	v4, _, _ =	vpop (xrf0);
	s25 =	spop (v2sf);
	(pc) =	sbr.rel @p0 .LBB2_2-.Ltmp2, $4  }
0x2f: {  	s2 =	sadd.s32 $0x10, s2;
	v4 =	vadd.s32 s25, v4  }
0x30: {  	[tilespmem:s2+$0x0] =	vst v4;
	(v2sf) =	vpush v4, $0xF  }
0x31: {  	s3 =	sadd.s32 $0x10, s3  }
0x32: {  	s11 =	sadd.s32 $0x10, s11;
	v4 =	vld [tilespmem:s3+$0x0]  }
0x33: {  	_ =	sdelay $0x2  }
0x34: {  	v5 =	vor.u32 s6, v0  }
0x35: {  	vm0 =	veq.s32 v4, v5  }
0x36: {  	v4 =	vsel vm0, $0x1, v1  }
0x37: {  	(xrf0) =	vadd.scan.msk.s32 $0xffff, v4;
	_ =	sdelay $0x5  }
0x38: {  	v4, _, _ =	vpop (xrf0);
	s3 =	spop (v2sf)  }
0x39: {  	v4 =	vadd.s32 s3, v4  }
0x3a: {  	(v2sf) =	vpush v4, $0xF;
	_ =	sdelay $0xd  }
0x3b: {  	s30 =	sadd.s32 $0x10, s2;
	s2 =	simm.s32 $0x0;
	s6 =	simm.s32 $0xF280  }
0x3c: {  	s11 =	simm.s32 $0xEA00;
	s3 =	simm.s32 $0xD900;
	[tilespmem:s30+$0x0] =	vst v4;
	s31 =	spop (v2sf)  }
.LBB2_4:
0x3d: {  	v4 =	vld [tilespmem:s0+$0x0];
	_ =	sdelay $0x4  }
0x3e: {  	vm0 =	vlt.s32 v4, $0x0  }
0x3f: {  	v5 =	vsel vm0, $0x0, v4;
	_ =	sdelay $0x4  }
0x40: {  	v5 =	vld.idx.msk [tilespmem:v5+s13+$0x0], $0xffff;
	_ =	sdelay $0x1  }
0x41: {  	v6 =	vld [tilespmem:s3+$0x0];
	_ =	sdelay $0x2  }
0x42: {  	v5 =	vadd.s32 $0xFFFFFFFF, v5  }
0x43: {  	v5 =	vand.u32 $0xF, v5  }
0x44: {  	vm1 =	vgt.s32 v6, $0xFFFFFFFF;
	v5 =	vsel vm0, $0x11, v5  }
0x45: {  	v5 =	vsel vm1, $0x10, v5  }
0x46: {  	[tilespmem:s6+$0x0] =	vst v5  }
0x47: {  	v5 =	vld [tilespmem:s11+$0x0];
	_ =	sdelay $0x4  }
0x48: {  	v63 =	vor.u32 s2, v0;
	v5 =	vadd.s32 $0xFFFFFFFF, v5  }
0x49: {  	vm14 =	veq.s32 v4, v63;
	v4 =	vmulhi.u32 $0x4EC4EC4F, v63;
	vm15 =	vgt.s32 v5, $0x0  }
0x4a: {  	p0 =	sne.s32 s2, $0x810;
	v5 =	vnsel vm15, $0x0, v5  }
.Ltmp3:
0x4b: {  	v4 =	vshrl.u32 v4, $0x5;
	(pc) =	sbr.rel @p0 .LBB2_4-.Ltmp3, $3  }
0x4c: {  	v4 =	vmul.u32 $0x68, v4;
	_ =	sdelay $0x1  }
0x4d: {  	s3 =	sadd.s32 $0x10, s3;
	s0 =	sadd.s32 $0x10, s0;
	v4 =	vsub.s32 v63, v4  }
0x4e: {  	s2 =	sadd.s32 $0x10, s2;
	s6 =	sadd.s32 $0x10, s6;
	s11 =	sadd.s32 $0x10, s11;
	[tilespmem:v5+s14+$0x0] =	vst.idx.msk vm14, v4  }
0x4f: {  	[tilespmem:$0xD800] =	vst v2  }
0x50: {  	[tilespmem:$0xD880] =	vst v3  }
0x51: {  	[tilespmem:$0xD810] =	vst v2  }
0x52: {  	[tilespmem:$0xD890] =	vst v3  }
0x53: {  	[tilespmem:$0xD820] =	vst v2  }
0x54: {  	[tilespmem:$0xD8A0] =	vst v3  }
0x55: {  	[tilespmem:$0xD830] =	vst v2  }
0x56: {  	[tilespmem:$0xD8B0] =	vst v3  }
0x57: {  	[tilespmem:$0xD840] =	vst v2  }
0x58: {  	[tilespmem:$0xD8C0] =	vst v3  }
0x59: {  	[tilespmem:$0xD850] =	vst v2  }
0x5a: {  	[tilespmem:$0xD8D0] =	vst v3  }
0x5b: {  	[tilespmem:$0xD860] =	vst v2  }
0x5c: {  	[tilespmem:$0xD8E0] =	vst v3  }
0x5d: {  	[tilespmem:$0xD870] =	vst v2  }
0x5e: {  	[tilespmem:$0xD8F0] =	vst v3;
	s25 =	simm.s32 $0x0  }
0x5f: {  	[tilespmem:s25], [sflag:$0x1] =	stream.strided.gather [hbm4b:s7+s15], $0x3400, s16, s15, $0x38;
	[tilespmem:$0xFC80] =	vst v63  }
0x60: {  	_ = 	snop  }
0x61: {  	[tilespmem:s17], [sflag:$0x2] =	stream.strided.gather [hbm4b:s9+s15], $0x3400, s16, s15, $0x38;
	[tilespmem:$0xFC80] =	vst v63  }
.LBB2_6:
0x62: {  	_ =	swait.ge [sflag:s18], $0x3400  }
0x63: {  	p0 =	seq.s32 s25, $0x0;
	[sflag:s18] =	ssyncset.done $0x0  }
0x64: {  	s0 =	simm.s32 @!p0 $0x3;
	[sflag:s18] =	ssyncadd.s32 $0xFFFFCC00  }
0x65: {  	_ =	swait.ge @!p0 [sflag:s0], $0x3400  }
0x66: {  	[sflag:s0] =	ssyncset.done @!p0 $0x0  }
0x67: {  	s2 =	simm.s32 $0x80;
	[sflag:s0] =	ssyncadd.s32 @!p0 $0xFFFFCC00  }
0x68: {  	v4 =	vld [tilespmem:s2+$0x0]  }
0x69: {  	v5 =	vld [tilespmem:s2+$0xFFFFFF80];
	_ =	sdelay $0x2  }
0x6a: {  	s28 =	simm.s32 $0x6880  }
0x6b: {  	[tilespmem:s28+$0x0] =	vst v4  }
0x6c: {  	[tilespmem:s28+$0xFFFFFF80] =	vst v5;
	v4 =	vld [tilespmem:s2+$0x10]  }
0x6d: {  	v5 =	vld [tilespmem:s2+$0xFFFFFF90];
	_ =	sdelay $0x3  }
0x6e: {  	[tilespmem:s28+$0x10] =	vst v4  }
0x6f: {  	[tilespmem:s28+$0xFFFFFF90] =	vst v5;
	v4 =	vld [tilespmem:s2+$0x20]  }
0x70: {  	v5 =	vld [tilespmem:s2+$0xFFFFFFA0];
	_ =	sdelay $0x1  }
0x71: {  	s30 =	simm.s32 $0x180  }
0x72: {  	v6 =	vld [tilespmem:s30+$0x0]  }
0x73: {  	v7 =	vld [tilespmem:s30+$0xFFFFFF80];
	[tilespmem:s28+$0x20] =	vst v4  }
0x74: {  	[tilespmem:s28+$0xFFFFFFA0] =	vst v5;
	v4 =	vld [tilespmem:s2+$0x30]  }
0x75: {  	v5 =	vld [tilespmem:s2+$0xFFFFFFB0]  }
0x76: {  	s29 =	simm.s32 $0x6980  }
0x77: {  	[tilespmem:s29+$0x0] =	vst v6  }
0x78: {  	[tilespmem:s29+$0xFFFFFF80] =	vst v7;
	v6 =	vld [tilespmem:s30+$0x10]  }
0x79: {  	v7 =	vld [tilespmem:s30+$0xFFFFFF90];
	[tilespmem:s28+$0x30] =	vst v4  }
0x7a: {  	[tilespmem:s28+$0xFFFFFFB0] =	vst v5;
	v4 =	vld [tilespmem:s2+$0x40]  }
0x7b: {  	v5 =	vld [tilespmem:s2+$0xFFFFFFC0];
	_ =	sdelay $0x1  }
0x7c: {  	[tilespmem:s29+$0x10] =	vst v6  }
0x7d: {  	[tilespmem:s29+$0xFFFFFF90] =	vst v7;
	v6 =	vld [tilespmem:s30+$0x20]  }
0x7e: {  	v7 =	vld [tilespmem:s30+$0xFFFFFFA0];
	[tilespmem:s28+$0x40] =	vst v4  }
0x7f: {  	[tilespmem:s28+$0xFFFFFFC0] =	vst v5;
	v4 =	vld [tilespmem:s2+$0x50]  }
0x80: {  	s0 =	simm.s32 $0x280;
	v5 =	vld [tilespmem:s2+$0xFFFFFFD0]  }
0x81: {  	v8 =	vld [tilespmem:s0+$0x0]  }
0x82: {  	v9 =	vld [tilespmem:s0+$0xFFFFFF80];
	[tilespmem:s29+$0x20] =	vst v6  }
0x83: {  	[tilespmem:s29+$0xFFFFFFA0] =	vst v7;
	v6 =	vld [tilespmem:s30+$0x30]  }
0x84: {  	v7 =	vld [tilespmem:s30+$0xFFFFFFB0];
	[tilespmem:s28+$0x50] =	vst v4  }
0x85: {  	s31 =	simm.s32 $0x6A80;
	[tilespmem:s28+$0xFFFFFFD0] =	vst v5;
	v4 =	vld [tilespmem:s2+$0x60]  }
0x86: {  	[tilespmem:s31+$0x0] =	vst v8;
	v5 =	vld [tilespmem:s2+$0xFFFFFFE0]  }
0x87: {  	[tilespmem:s31+$0xFFFFFF80] =	vst v9;
	v8 =	vld [tilespmem:s0+$0x10]  }
0x88: {  	s3 =	smul.u32 $0x19A, s25;
	v9 =	vld [tilespmem:s0+$0xFFFFFF90];
	[tilespmem:s29+$0x30] =	vst v6  }
0x89: {  	[tilespmem:s29+$0xFFFFFFB0] =	vst v7;
	v6 =	vld [tilespmem:s30+$0x40]  }
0x8a: {  	s3 =	sshrl.u32 s3, $0xC;
	v10 =	vld [tilespmem:s30+$0xFFFFFFC0];
	[tilespmem:s28+$0x60] =	vst v4  }
0x8b: {  	s6 =	smul.u32 $0xCD, s25;
	s3 =	sand.u32 $0xF, s3;
	[tilespmem:s28+$0xFFFFFFE0] =	vst v5;
	v11 =	vld [tilespmem:s2+$0x70]  }
0x8c: {  	s3 =	smul.u32 $0x14, s3;
	[tilespmem:s31+$0x10] =	vst v8;
	v4 =	vld [tilespmem:s2+$0xFFFFFFF0]  }
0x8d: {  	s26 =	sshll.u32 s25, $0x1;
	[tilespmem:s31+$0xFFFFFF90] =	vst v9;
	v7 =	vld [tilespmem:s0+$0x20]  }
0x8e: {  	s11 =	sshrl.u32 s6, $0xB;
	s3 =	ssub.s32 s26, s3;
	v8 =	vld [tilespmem:s0+$0xFFFFFFA0];
	[tilespmem:s29+$0x40] =	vst v6  }
0x8f: {  	[tilespmem:s29+$0xFFFFFFC0] =	vst v10;
	v5 =	vld [tilespmem:s30+$0x50];
	s2 =	sand.u32 $0xFE, s3;
	s3 =	sand.u32 $0x1F, s11  }
0x90: {  	s6 =	simm.s32 $0x380;
	v6 =	vld [tilespmem:s30+$0xFFFFFFD0];
	s11 =	simm.s32 $0x4;
	s3 =	sadd.s32 s3, s8;
	[tilespmem:s28+$0x70] =	vst v11  }
.LBB2_7:
0x91: {  	v9 =	vld [tilespmem:s6+$0x0];
	s11 =	sadd.s32 $0x2, s11;
	[tilespmem:s28+$0xFFFFFFF0] =	vst v4;
	s28 =	smov.u32 s29;
	s29 =	smov.u32 s31  }
0x92: {  	v4 =	vld [tilespmem:s6+$0xFFFFFF80];
	p1 =	slt.u32 s11, $0x66;
	[tilespmem:s31+$0x20] =	vst v7  }
0x93: {  	[tilespmem:s31+$0xFFFFFFA0] =	vst v8;
	v7 =	vld [tilespmem:s0+$0x30]  }
0x94: {  	v8 =	vld [tilespmem:s0+$0xFFFFFFB0];
	[tilespmem:s28+$0x50] =	vst v5  }
0x95: {  	s31 =	sadd.s32 $0x100, s31;
	[tilespmem:s28+$0xFFFFFFD0] =	vst v6;
	v5 =	vld [tilespmem:s30+$0x60]  }
0x96: {  	[tilespmem:s31+$0x0] =	vst v9;
	v6 =	vld [tilespmem:s30+$0xFFFFFFE0]  }
0x97: {  	[tilespmem:s31+$0xFFFFFF80] =	vst v4;
	v4 =	vld [tilespmem:s6+$0x10]  }
0x98: {  	v9 =	vld [tilespmem:s6+$0xFFFFFF90];
	[tilespmem:s29+$0x30] =	vst v7  }
0x99: {  	[tilespmem:s29+$0xFFFFFFB0] =	vst v8;
	v10 =	vld [tilespmem:s0+$0x40]  }
0x9a: {  	v11 =	vld [tilespmem:s0+$0xFFFFFFC0];
	[tilespmem:s28+$0x60] =	vst v5  }
0x9b: {  	[tilespmem:s28+$0xFFFFFFE0] =	vst v6;
	v12 =	vld [tilespmem:s30+$0x70]  }
.Ltmp4:
0x9c: {  	[tilespmem:s31+$0x10] =	vst v4;
	v4 =	vld [tilespmem:s30+$0xFFFFFFF0];
	s30 =	smov.u32 s0;
	s0 =	smov.u32 s6;
	(pc) =	sbr.rel @p1 .LBB2_7-.Ltmp4, $4  }
0x9d: {  	[tilespmem:s31+$0xFFFFFF90] =	vst v9;
	v7 =	vld [tilespmem:s6+$0x20]  }
0x9e: {  	v8 =	vld [tilespmem:s6+$0xFFFFFFA0];
	[tilespmem:s29+$0x40] =	vst v10  }
0x9f: {  	[tilespmem:s29+$0xFFFFFFC0] =	vst v11;
	v5 =	vld [tilespmem:s30+$0x50]  }
0xa0: {  	s6 =	sadd.s32 $0x100, s6;
	v6 =	vld [tilespmem:s30+$0xFFFFFFD0];
	[tilespmem:s28+$0x70] =	vst v12  }
0xa1: {  	_ = 	snop  }
0xa2: {  	[tilespmem:s31+$0x20] =	vst v7  }
0xa3: {  	[tilespmem:s31+$0xFFFFFFA0] =	vst v8;
	v7 =	vld [tilespmem:s0+$0x30]  }
0xa4: {  	v8 =	vld [tilespmem:s0+$0xFFFFFFB0];
	_ =	sdelay $0x3  }
0xa5: {  	[tilespmem:s31+$0x30] =	vst v7  }
0xa6: {  	[tilespmem:s31+$0xFFFFFFB0] =	vst v8;
	v7 =	vld [tilespmem:s0+$0x40]  }
0xa7: {  	v8 =	vld [tilespmem:s0+$0xFFFFFFC0];
	_ =	sdelay $0x3  }
0xa8: {  	[tilespmem:s31+$0x40] =	vst v7  }
0xa9: {  	[tilespmem:s31+$0xFFFFFFC0] =	vst v8;
	v7 =	vld [tilespmem:s0+$0x50]  }
0xaa: {  	v8 =	vld [tilespmem:s0+$0xFFFFFFD0];
	_ =	sdelay $0x1  }
0xab: {  	[tilespmem:s29+$0x50] =	vst v5  }
0xac: {  	[tilespmem:s29+$0xFFFFFFD0] =	vst v6;
	v5 =	vld [tilespmem:s30+$0x60]  }
0xad: {  	v6 =	vld [tilespmem:s30+$0xFFFFFFE0];
	[tilespmem:s31+$0x50] =	vst v7  }
0xae: {  	[tilespmem:s31+$0xFFFFFFD0] =	vst v8;
	v7 =	vld [tilespmem:s0+$0x60]  }
0xaf: {  	v8 =	vld [tilespmem:s0+$0xFFFFFFE0];
	_ =	sdelay $0x1  }
0xb0: {  	[tilespmem:s29+$0x60] =	vst v5  }
0xb1: {  	[tilespmem:s29+$0xFFFFFFE0] =	vst v6;
	v5 =	vld [tilespmem:s30+$0x70]  }
0xb2: {  	v6 =	vld [tilespmem:s30+$0xFFFFFFF0];
	[tilespmem:s31+$0x60] =	vst v7  }
0xb3: {  	[tilespmem:s31+$0xFFFFFFE0] =	vst v8;
	v7 =	vld [tilespmem:s0+$0x70]  }
0xb4: {  	p1 =	seq.s32 s25, $0x27;
	v8 =	vld [tilespmem:s0+$0xFFFFFFF0]  }
0xb5: {  	[tilespmem:s28+$0xFFFFFFF0] =	vst v4;
	s6 =	smul.u32 $0x1A0000, s2;
	s2 =	sadd.s32 @!p1 $0x2, s26  }
0xb6: {  	s28 =	sshll.u32 s3, $0xA;
	s3 =	smulhi.u32 @!p1 $0x66666667, s2;
	[tilespmem:s29+$0x70] =	vst v5  }
0xb7: {  	[tilespmem:s29+$0xFFFFFFF0] =	vst v6;
	s0 =	sor.u32 s28, s6  }
0xb8: {  	s3 =	sshrl.u32 @!p1 s3, $0x3;
	s0 =	sshrl.u32 s0, $0x3;
	[tilespmem:s31+$0x70] =	vst v7  }
0xb9: {  	s6 =	smul.u32 @!p1 $0x14, s3;
	s0 =	sadd.s32 s4, s0;
	[tilespmem:s31+$0xFFFFFFF0] =	vst v8  }
0xba: {  	[hbm4b:s0+s15] =	stream.strided.scatter [tilespmem:s19], [sflag:$0x3], $0x3400, s16, s15, $0x38;
	[tilespmem:$0xFC80] =	vst v63  }
0xbb: {  	s0 =	ssub.s32 @!p1 s2, s6  }
0xbc: {  	s2 =	sadd.s32 @!p1 s8, s3;
	s0 =	smul.u32 @!p1 $0x1A0000, s0  }
0xbd: {  	s2 =	sshll.u32 @!p1 s2, $0xA  }
0xbe: {  	s0 =	sadd.s32 @!p1 s0, s2  }
0xbf: {  	s3 =	simm.s32 @!p1 $0x20000;
	s0 =	sshrl.u32 @!p1 s0, $0x3  }
0xc0: {  	s6 =	simm.s32 @!p1 $0x0;
	s2 =	simm.s32 @!p1 $0x400;
	s0 =	sadd.s32 @!p1 s1, s0  }
0xc1: {  	[tilespmem:s6], [sflag:$0x1] =	stream.strided.gather @!p1 [hbm4b:s0+s2], $0x3400, s3, s2, $0x38;
	[tilespmem:$0xFC80] =	vst v63  }
0xc2: {  	_ =	swait.ge [sflag:s20], $0x3400  }
0xc3: {  	[sflag:s20] =	ssyncset.done $0x0  }
0xc4: {  	s0 =	simm.s32 @!p0 $0x4;
	[sflag:s20] =	ssyncadd.s32 $0xFFFFCC00  }
0xc5: {  	_ =	swait.ge @!p0 [sflag:s0], $0x3400  }
0xc6: {  	[sflag:s0] =	ssyncset.done @!p0 $0x0  }
0xc7: {  	s3 =	simm.s32 $0x3480;
	[sflag:s0] =	ssyncadd.s32 @!p0 $0xFFFFCC00  }
0xc8: {  	v4 =	vld [tilespmem:s3+$0x0]  }
0xc9: {  	v5 =	vld [tilespmem:s3+$0xFFFFFF80];
	_ =	sdelay $0x2  }
0xca: {  	s29 =	simm.s32 $0x9C80  }
0xcb: {  	[tilespmem:s29+$0x0] =	vst v4  }
0xcc: {  	[tilespmem:s29+$0xFFFFFF80] =	vst v5;
	v4 =	vld [tilespmem:s3+$0x10]  }
0xcd: {  	v5 =	vld [tilespmem:s3+$0xFFFFFF90];
	_ =	sdelay $0x3  }
0xce: {  	[tilespmem:s29+$0x10] =	vst v4  }
0xcf: {  	[tilespmem:s29+$0xFFFFFF90] =	vst v5;
	v4 =	vld [tilespmem:s3+$0x20]  }
0xd0: {  	v5 =	vld [tilespmem:s3+$0xFFFFFFA0];
	_ =	sdelay $0x1  }
0xd1: {  	s31 =	simm.s32 $0x3580  }
0xd2: {  	v6 =	vld [tilespmem:s31+$0x0]  }
0xd3: {  	v7 =	vld [tilespmem:s31+$0xFFFFFF80];
	[tilespmem:s29+$0x20] =	vst v4  }
0xd4: {  	[tilespmem:s29+$0xFFFFFFA0] =	vst v5;
	v4 =	vld [tilespmem:s3+$0x30]  }
0xd5: {  	v5 =	vld [tilespmem:s3+$0xFFFFFFB0]  }
0xd6: {  	s30 =	simm.s32 $0x9D80  }
0xd7: {  	[tilespmem:s30+$0x0] =	vst v6  }
0xd8: {  	[tilespmem:s30+$0xFFFFFF80] =	vst v7;
	v6 =	vld [tilespmem:s31+$0x10]  }
0xd9: {  	v7 =	vld [tilespmem:s31+$0xFFFFFF90];
	[tilespmem:s29+$0x30] =	vst v4  }
0xda: {  	[tilespmem:s29+$0xFFFFFFB0] =	vst v5;
	v4 =	vld [tilespmem:s3+$0x40]  }
0xdb: {  	v5 =	vld [tilespmem:s3+$0xFFFFFFC0];
	_ =	sdelay $0x1  }
0xdc: {  	[tilespmem:s30+$0x10] =	vst v6  }
0xdd: {  	[tilespmem:s30+$0xFFFFFF90] =	vst v7;
	v6 =	vld [tilespmem:s31+$0x20]  }
0xde: {  	v7 =	vld [tilespmem:s31+$0xFFFFFFA0];
	[tilespmem:s29+$0x40] =	vst v4  }
0xdf: {  	[tilespmem:s29+$0xFFFFFFC0] =	vst v5;
	v4 =	vld [tilespmem:s3+$0x50]  }
0xe0: {  	s0 =	simm.s32 $0x3680;
	v5 =	vld [tilespmem:s3+$0xFFFFFFD0]  }
0xe1: {  	v8 =	vld [tilespmem:s0+$0x0]  }
0xe2: {  	v9 =	vld [tilespmem:s0+$0xFFFFFF80];
	[tilespmem:s30+$0x20] =	vst v6  }
0xe3: {  	[tilespmem:s30+$0xFFFFFFA0] =	vst v7;
	v6 =	vld [tilespmem:s31+$0x30]  }
0xe4: {  	v7 =	vld [tilespmem:s31+$0xFFFFFFB0];
	[tilespmem:s29+$0x50] =	vst v4  }
0xe5: {  	s2 =	simm.s32 $0x9E80;
	[tilespmem:s29+$0xFFFFFFD0] =	vst v5;
	v4 =	vld [tilespmem:s3+$0x60]  }
0xe6: {  	[tilespmem:s2+$0x0] =	vst v8;
	v5 =	vld [tilespmem:s3+$0xFFFFFFE0]  }
0xe7: {  	[tilespmem:s2+$0xFFFFFF80] =	vst v9;
	v8 =	vld [tilespmem:s0+$0x10]  }
0xe8: {  	v9 =	vld [tilespmem:s0+$0xFFFFFF90];
	[tilespmem:s30+$0x30] =	vst v6  }
0xe9: {  	[tilespmem:s30+$0xFFFFFFB0] =	vst v7;
	v6 =	vld [tilespmem:s31+$0x40]  }
0xea: {  	s6 =	sor.u32 $0x1, s26;
	v10 =	vld [tilespmem:s31+$0xFFFFFFC0];
	[tilespmem:s29+$0x60] =	vst v4  }
0xeb: {  	s11 =	smulhi.u32 $0x66666667, s6;
	[tilespmem:s29+$0xFFFFFFE0] =	vst v5;
	v11 =	vld [tilespmem:s3+$0x70]  }
0xec: {  	[tilespmem:s2+$0x10] =	vst v8;
	v4 =	vld [tilespmem:s3+$0xFFFFFFF0]  }
0xed: {  	s11 =	sshrl.u32 s11, $0x3;
	[tilespmem:s2+$0xFFFFFF90] =	vst v9;
	v7 =	vld [tilespmem:s0+$0x20]  }
0xee: {  	v8 =	vld [tilespmem:s0+$0xFFFFFFA0];
	[tilespmem:s30+$0x40] =	vst v6;
	s3 =	smul.u32 $0x14, s11  }
0xef: {  	[tilespmem:s30+$0xFFFFFFC0] =	vst v10;
	v5 =	vld [tilespmem:s31+$0x50]  }
0xf0: {  	v6 =	vld [tilespmem:s31+$0xFFFFFFD0];
	s11 =	simm.s32 $0x4;
	s3 =	ssub.s32 s6, s3;
	s6 =	simm.s32 $0x3780;
	[tilespmem:s29+$0x70] =	vst v11  }
.LBB2_9:
0xf1: {  	v9 =	vld [tilespmem:s6+$0x0];
	s11 =	sadd.s32 $0x2, s11;
	[tilespmem:s29+$0xFFFFFFF0] =	vst v4;
	s29 =	smov.u32 s30;
	s30 =	smov.u32 s2  }
0xf2: {  	v4 =	vld [tilespmem:s6+$0xFFFFFF80];
	p0 =	slt.u32 s11, $0x66;
	[tilespmem:s2+$0x20] =	vst v7  }
0xf3: {  	[tilespmem:s2+$0xFFFFFFA0] =	vst v8;
	v7 =	vld [tilespmem:s0+$0x30]  }
0xf4: {  	v8 =	vld [tilespmem:s0+$0xFFFFFFB0];
	[tilespmem:s29+$0x50] =	vst v5  }
0xf5: {  	s2 =	sadd.s32 $0x100, s2;
	[tilespmem:s29+$0xFFFFFFD0] =	vst v6;
	v5 =	vld [tilespmem:s31+$0x60]  }
0xf6: {  	[tilespmem:s2+$0x0] =	vst v9;
	v6 =	vld [tilespmem:s31+$0xFFFFFFE0]  }
0xf7: {  	[tilespmem:s2+$0xFFFFFF80] =	vst v4;
	v4 =	vld [tilespmem:s6+$0x10]  }
0xf8: {  	v9 =	vld [tilespmem:s6+$0xFFFFFF90];
	[tilespmem:s30+$0x30] =	vst v7  }
0xf9: {  	[tilespmem:s30+$0xFFFFFFB0] =	vst v8;
	v10 =	vld [tilespmem:s0+$0x40]  }
0xfa: {  	v11 =	vld [tilespmem:s0+$0xFFFFFFC0];
	[tilespmem:s29+$0x60] =	vst v5  }
0xfb: {  	[tilespmem:s29+$0xFFFFFFE0] =	vst v6;
	v12 =	vld [tilespmem:s31+$0x70]  }
.Ltmp5:
0xfc: {  	[tilespmem:s2+$0x10] =	vst v4;
	v4 =	vld [tilespmem:s31+$0xFFFFFFF0];
	s31 =	smov.u32 s0;
	s0 =	smov.u32 s6;
	(pc) =	sbr.rel @p0 .LBB2_9-.Ltmp5, $4  }
0xfd: {  	[tilespmem:s2+$0xFFFFFF90] =	vst v9;
	v7 =	vld [tilespmem:s6+$0x20]  }
0xfe: {  	v8 =	vld [tilespmem:s6+$0xFFFFFFA0];
	[tilespmem:s30+$0x40] =	vst v10  }
0xff: {  	[tilespmem:s30+$0xFFFFFFC0] =	vst v11;
	v5 =	vld [tilespmem:s31+$0x50]  }
0x100: {  	s6 =	sadd.s32 $0x100, s6;
	v6 =	vld [tilespmem:s31+$0xFFFFFFD0];
	[tilespmem:s29+$0x70] =	vst v12  }
0x101: {  	_ = 	snop  }
0x102: {  	[tilespmem:s2+$0x20] =	vst v7  }
0x103: {  	[tilespmem:s2+$0xFFFFFFA0] =	vst v8;
	v7 =	vld [tilespmem:s0+$0x30]  }
0x104: {  	v8 =	vld [tilespmem:s0+$0xFFFFFFB0];
	_ =	sdelay $0x3  }
0x105: {  	[tilespmem:s2+$0x30] =	vst v7  }
0x106: {  	[tilespmem:s2+$0xFFFFFFB0] =	vst v8;
	v7 =	vld [tilespmem:s0+$0x40]  }
0x107: {  	v8 =	vld [tilespmem:s0+$0xFFFFFFC0];
	_ =	sdelay $0x3  }
0x108: {  	[tilespmem:s2+$0x40] =	vst v7  }
0x109: {  	[tilespmem:s2+$0xFFFFFFC0] =	vst v8;
	v7 =	vld [tilespmem:s0+$0x50]  }
0x10a: {  	v8 =	vld [tilespmem:s0+$0xFFFFFFD0];
	_ =	sdelay $0x1  }
0x10b: {  	[tilespmem:s30+$0x50] =	vst v5  }
0x10c: {  	[tilespmem:s30+$0xFFFFFFD0] =	vst v6;
	v5 =	vld [tilespmem:s31+$0x60]  }
0x10d: {  	v6 =	vld [tilespmem:s31+$0xFFFFFFE0];
	[tilespmem:s2+$0x50] =	vst v7  }
0x10e: {  	[tilespmem:s2+$0xFFFFFFD0] =	vst v8;
	v7 =	vld [tilespmem:s0+$0x60]  }
0x10f: {  	v8 =	vld [tilespmem:s0+$0xFFFFFFE0];
	_ =	sdelay $0x1  }
0x110: {  	[tilespmem:s30+$0x60] =	vst v5  }
0x111: {  	[tilespmem:s30+$0xFFFFFFE0] =	vst v6;
	v5 =	vld [tilespmem:s31+$0x70]  }
0x112: {  	v6 =	vld [tilespmem:s31+$0xFFFFFFF0];
	[tilespmem:s2+$0x60] =	vst v7  }
0x113: {  	[tilespmem:s2+$0xFFFFFFE0] =	vst v8;
	v7 =	vld [tilespmem:s0+$0x70]  }
0x114: {  	v8 =	vld [tilespmem:s0+$0xFFFFFFF0]  }
0x115: {  	[tilespmem:s29+$0xFFFFFFF0] =	vst v4;
	s31 =	smul.u32 $0x1A0000, s3  }
.Ltmp6:
0x116: {  	[tilespmem:s30+$0x70] =	vst v5;
	(pc) =	sbr.rel @p1 .LBB2_12-.Ltmp6, $4  }
0x117: {  	[tilespmem:s30+$0xFFFFFFF0] =	vst v6;
	s0 =	sadd.s32 s31, s28  }
0x118: {  	s0 =	sshrl.u32 s0, $0x3;
	[tilespmem:s2+$0x70] =	vst v7  }
0x119: {  	s0 =	sadd.s32 s4, s0;
	[tilespmem:s2+$0xFFFFFFF0] =	vst v8  }
0x11a: {  	[hbm4b:s0+s15] =	stream.strided.scatter [tilespmem:s21], [sflag:$0x4], $0x3400, s16, s15, $0x38;
	[tilespmem:$0xFC80] =	vst v63  }
0x11b: {  	s0 =	sadd.s32 $0x3, s26  }
0x11c: {  	s2 =	smulhi.u32 $0x66666667, s0;
	_ =	sdelay $0x1  }
0x11d: {  	s2 =	sshrl.u32 s2, $0x3  }
0x11e: {  	s3 =	smul.u32 $0x14, s2;
	_ =	sdelay $0x1  }
0x11f: {  	s0 =	ssub.s32 s0, s3  }
0x120: {  	s2 =	sadd.s32 s8, s2;
	s0 =	smul.u32 $0x1A0000, s0  }
.Ltmp7:
0x121: {  	s2 =	sshll.u32 s2, $0xA;
	(pc) =	sbr.rel .LBB2_6-.Ltmp7, $4  }
0x122: {  	s0 =	sadd.s32 s0, s2  }
0x123: {  	s0 =	sshrl.u32 s0, $0x3  }
0x124: {  	s25 =	sadd.s32 $0x1, s25;
	s0 =	sadd.s32 s1, s0  }
0x125: {  	[tilespmem:s17], [sflag:$0x2] =	stream.strided.gather [hbm4b:s0+s15], $0x3400, s16, s15, $0x38;
	[tilespmem:$0xFC80] =	vst v63  }
.LBB2_13:
0x126: {  	_ =	sfence.sel $0x180000  }
0x127: {  	[bflag:$0x0] =	sbarrier.arrive $0xFFFF  }
0x128: {  	_ =	strace $0x90000047  }
0x129: {  	s0 =	stileid.u32;
	[bflag:$0x2] =	sbarrier.arrive $0xFFFF  }
0x12a: {  	p0 =	sne.s32 s0, $0x0;
	s0 =	rddreg [dreg:$0x3]  }
0x12b: {  	s0 =	sadd.s32 @!p0 $0x100000, s0  }
0x12c: {  	[sflag:s0] =	ssyncadd.tile.s32 @!p0 $0x1;
	_ =	shalt  }
.Lfunc_end2:
_tile_overlayer_lowered:
.L_overlay_start_2:
0x12d: {  	(tag) =	ssettag $0x2  }
0x12e: {  	s0 =	rddreg [dreg:$0x0];
	s2 =	stileid.u32  }
0x12f: {  	s1 =	rddreg [dreg:$0x1];
	p0 =	sne.s32 s2, $0x0  }
0x130: {  	s3 =	rddreg [dreg:$0x2];
	[bflag:$0x3] =	sbarrier.arrive $0xFFFF;
	s2 =	simm.s32 @!p0 $0x1C05  }
0x131: {  	[timem:s3], [sflag:s2] =	dma.local @!p0 [hbm:s0], s1  }
0x132: {  	s0 =	simm.s32 @!p0 $0x5  }
0x133: {  	_ =	swait.ge @!p0 [sflag:s0], s1  }
0x134: {  	s1 =	ssub.s32 @!p0 $0x0, s1;
	[sflag:s0] =	ssyncset.done @!p0 $0x0  }
0x135: {  	[sflag:s0] =	ssyncadd.s32 @!p0 s1  }
0x136: {  	[bflag:$0x3] =	sbarrier.arrive $0xFFFF  }
0x137: {  	_ =	shalt  }

</sc_bundles>
